<compile_context>
chip_gen: v7x
topology: tpu7x:2x2x1
jax: 0.10.2.dev20260603
libtpu: 0.0.44.dev20260713+nightly
codegen_flags: <defaults>
</compile_context>

<pallas_src>
import functools

import jax
import jax.numpy as jnp
from jax import lax
from jax.experimental import pallas as pl
from jax.experimental.pallas import tpu as pltpu
from jax.experimental.pallas import tpu_sc as plsc

BATCH = 4
SEQ = 2048
HIDDEN = 2048
TOKENS = BATCH * SEQ

NUM_CORES = 2
NUM_SUBCORES = 16
NUM_WORKERS = NUM_CORES * NUM_SUBCORES
LANES = 16

TOK_PER_WORKER = TOKENS // NUM_WORKERS
CHUNK = 8
NUM_CHUNKS = TOK_PER_WORKER // CHUNK
VECS_PER_CHUNK = CHUNK * HIDDEN // LANES
UNROLL = 16
NBUF = 3

_mesh = plsc.VectorSubcoreMesh(
    core_axis_name="c",
    subcore_axis_name="s",
    num_cores=NUM_CORES,
    num_subcores=NUM_SUBCORES,
)


@functools.partial(
    pl.kernel,
    out_type=jax.ShapeDtypeStruct((BATCH, SEQ, HIDDEN), jnp.float32),
    mesh=_mesh,
    scratch_types=[
        pltpu.VMEM((TOK_PER_WORKER,), jnp.int32),
        pltpu.VMEM((TOK_PER_WORKER,), jnp.int32),
        [pltpu.VMEM((CHUNK, HIDDEN), jnp.float32) for _ in range(NBUF)],
        [pltpu.VMEM((CHUNK, HIDDEN), jnp.float32) for _ in range(NBUF)],
        [pltpu.SemaphoreType.DMA for _ in range(NBUF)],
        [pltpu.SemaphoreType.DMA for _ in range(NBUF)],
        [pltpu.SemaphoreType.DMA for _ in range(NBUF)],
    ],
)
def _embed_kernel(ids_hbm, pos_hbm, tok_tab, pos_tab, out_hbm,
                  ids_v, pids_v, obufs, pbufs, sems_t, sems_p, sems_w):
    wid = lax.axis_index("s") * NUM_CORES + lax.axis_index("c")
    base = wid * TOK_PER_WORKER
    bi = wid // (SEQ // TOK_PER_WORKER)
    soff = (wid % (SEQ // TOK_PER_WORKER)) * TOK_PER_WORKER
    pltpu.sync_copy(ids_hbm.at[pl.ds(base, TOK_PER_WORKER)], ids_v)
    pltpu.sync_copy(pos_hbm.at[pl.ds(base, TOK_PER_WORKER)], pids_v)

    def start_gathers(b, ch):
        off = ch * CHUNK
        pltpu.async_copy(
            tok_tab.at[ids_v.at[pl.ds(off, CHUNK)]], obufs[b], sems_t[b])
        pltpu.async_copy(
            pos_tab.at[pids_v.at[pl.ds(off, CHUNK)]], pbufs[b], sems_p[b])

    def wait_gathers(b):
        pltpu.make_async_copy(
            tok_tab.at[ids_v.at[pl.ds(0, CHUNK)]], obufs[b], sems_t[b]).wait()
        pltpu.make_async_copy(
            pos_tab.at[pids_v.at[pl.ds(0, CHUNK)]], pbufs[b], sems_p[b]).wait()

    def wait_write(b):
        pltpu.make_async_copy(
            obufs[b], out_hbm.at[bi, pl.ds(soff, CHUNK)], sems_w[b]).wait()

    start_gathers(0, 0)
    start_gathers(1, 1)

    def chunk_body(ch, b, prefetch_wait):
        wait_gathers(b)

        bp = (b + 2) % NBUF

        @pl.when(ch + 2 < NUM_CHUNKS)
        def _():
            if prefetch_wait:
                wait_write(bp)
            start_gathers(bp, ch + 2)

        @plsc.parallel_loop(0, VECS_PER_CHUNK, step=1, unroll=UNROLL)
        def _(v):
            r = v // (HIDDEN // LANES)
            col = (v % (HIDDEN // LANES)) * LANES
            x = pbufs[b][r, pl.ds(col, LANES)]
            plsc.addupdate(obufs[b].at[r, pl.ds(col, LANES)], x)

        pltpu.async_copy(
            obufs[b], out_hbm.at[bi, pl.ds(soff + ch * CHUNK, CHUNK)],
            sems_w[b])

    chunk_body(0, 0, prefetch_wait=False)

    def outer(i, carry):
        g = 1 + i * NBUF
        for b0 in range(NBUF):
            ch = g + b0
            b = (1 + b0) % NBUF

            @pl.when(ch < NUM_CHUNKS)
            def _():
                chunk_body(ch, b, prefetch_wait=True)
        return carry

    lax.fori_loop(0, (NUM_CHUNKS - 1 + NBUF - 1) // NBUF, outer, 0)

    for b in range(NBUF):
        wait_write(b)


def kernel(input_ids, position_ids, token_table, pos_table):
    ids = input_ids.reshape(TOKENS).astype(jnp.int32)
    pos = position_ids.reshape(TOKENS).astype(jnp.int32)
    return _embed_kernel(ids, pos, token_table, pos_table)

# --- scband reference (transcript-rebuilt; emitter-appended) ---
"""Pipeline reference for scband-gptbig-code-embedding-11089605558873 (READ-ONLY COPY).

The authoritative reference and input builder live on the scoring server;
editing this copy changes nothing except your own understanding.
"""

import jax, jax.numpy as jnp
import numpy as np

VOCAB = 49280
HIDDEN = 2048
MAX_POS = 2048
BATCH = 4
SEQ = 2048


def setup_inputs(seed: int = 0) -> dict:
    key = jax.random.key(seed)
    k1, k2, k3, k4 = jax.random.split(key, 4)
    input_ids = jax.random.randint(k1, (BATCH, SEQ), 0, VOCAB, dtype=jnp.int64 if jax.config.jax_enable_x64 else jnp.int32)
    position_ids = jax.random.randint(k2, (BATCH, SEQ), 0, MAX_POS, dtype=jnp.int64 if jax.config.jax_enable_x64 else jnp.int32)
    token_table = jax.random.normal(k3, (VOCAB, HIDDEN), dtype=jnp.float32) * 0.02
    pos_table = jax.random.normal(k4, (MAX_POS, HIDDEN), dtype=jnp.float32) * 0.02
    return {
        "input_ids": input_ids,
        "position_ids": position_ids,
        "token_table": token_table,
        "pos_table": pos_table,
    }


def reference(input_ids, position_ids, token_table, pos_table):
    # Token embedding lookup (ParallelEmbedding == plain row gather)
    token_embeds = jnp.take(token_table, input_ids, axis=0)
    # Position embedding lookup
    position_embeds = jnp.take(pos_table, position_ids, axis=0)
    # Combined embeddings [batch, seq, hidden]
    embeddings = token_embeds + position_embeds
    return embeddings

if __name__ == "__main__":
    import jax
    _d = setup_inputs()
    print(jax.jit(kernel)(*tuple(_d.values())))

</pallas_src>

<mosaic_0001>
#map = affine_map<(d0, d1) -> (0)>
#map1 = affine_map<(d0, d1) -> (0, 0)>
#map2 = affine_map<(d0, d1) -> (0, 0, 0)>
module attributes {stable_mosaic.version = 14 : i64} {
  func.func @_embed_kernel(%arg0: i32, %arg1: i32, %arg2: memref<8192xi32, #tpu.memory_space<hbm>>, %arg3: memref<8192xi32, #tpu.memory_space<hbm>>, %arg4: memref<49280x2048xf32, #tpu.memory_space<hbm>>, %arg5: memref<2048x2048xf32, #tpu.memory_space<hbm>>, %arg6: memref<4x2048x2048xf32, #tpu.memory_space<hbm>>, %arg7: memref<256xi32, #tpu.memory_space<vmem>>, %arg8: memref<256xi32, #tpu.memory_space<vmem>>, %arg9: memref<8x2048xf32, #tpu.memory_space<vmem>>, %arg10: memref<8x2048xf32, #tpu.memory_space<vmem>>, %arg11: memref<8x2048xf32, #tpu.memory_space<vmem>>, %arg12: memref<8x2048xf32, #tpu.memory_space<vmem>>, %arg13: memref<8x2048xf32, #tpu.memory_space<vmem>>, %arg14: memref<8x2048xf32, #tpu.memory_space<vmem>>, %arg15: memref<!tpu.dma_semaphore, #tpu.memory_space<semaphore_mem>>, %arg16: memref<!tpu.dma_semaphore, #tpu.memory_space<semaphore_mem>>, %arg17: memref<!tpu.dma_semaphore, #tpu.memory_space<semaphore_mem>>, %arg18: memref<!tpu.dma_semaphore, #tpu.memory_space<semaphore_mem>>, %arg19: memref<!tpu.dma_semaphore, #tpu.memory_space<semaphore_mem>>, %arg20: memref<!tpu.dma_semaphore, #tpu.memory_space<semaphore_mem>>, %arg21: memref<!tpu.dma_semaphore, #tpu.memory_space<semaphore_mem>>, %arg22: memref<!tpu.dma_semaphore, #tpu.memory_space<semaphore_mem>>, %arg23: memref<!tpu.dma_semaphore, #tpu.memory_space<semaphore_mem>>) attributes {dimension_semantics = [#tpu.dimension_semantics<core_parallel>, #tpu.dimension_semantics<subcore_parallel>], iteration_bounds = array<i64: 2, 16>, scalar_prefetch = 0 : i64, scratch_operands = 17 : i64, tpu.core_type = #tpu.core_type<sc_vector_subcore>, window_params = [{transform_indices = #map}, {transform_indices = #map}, {transform_indices = #map1}, {transform_indices = #map1}, {transform_indices = #map2}]} {
    %mul3A = arith.constant 2 : i32
    %mul3A_0 = arith.muli %arg1, %mul3A : i32
    %add3A = arith.addi %mul3A_0, %arg0 : i32
    %mul3A_1 = arith.constant 256 : i32
    %mul3A_2 = arith.muli %add3A, %mul3A_1 : i32
    %jit3A = arith.constant 8 : i32
    %div3A = arith.divsi %add3A, %jit3A : i32
    %sign3A = arith.constant 0 : i32
    %sign3A_3 = arith.cmpi sgt, %add3A, %sign3A : i32
    %sign3A_4 = arith.extui %sign3A_3 : i1 to i32
    %sign3A_5 = arith.constant 0 : i32
    %sign3A_6 = arith.cmpi slt, %add3A, %sign3A_5 : i32
    %sign3A_7 = arith.extui %sign3A_6 : i1 to i32
    %sign3A_8 = arith.subi %sign3A_4, %sign3A_7 : i32
    %sign3A_9 = arith.constant 0 : i32
    %sign3A_10 = arith.cmpi sgt, %jit3A, %sign3A_9 : i32
    %sign3A_11 = arith.extui %sign3A_10 : i1 to i32
    %sign3A_12 = arith.constant 0 : i32
    %sign3A_13 = arith.cmpi slt, %jit3A, %sign3A_12 : i32
    %sign3A_14 = arith.extui %sign3A_13 : i1 to i32
    %sign3A_15 = arith.subi %sign3A_11, %sign3A_14 : i32
    %ne3A = arith.cmpi ne, %sign3A_8, %sign3A_15 : i32
    %rem3A = arith.remsi %add3A, %jit3A : i32
    %ne3A_16 = arith.constant 0 : i32
    %ne3A_17 = arith.cmpi ne, %rem3A, %ne3A_16 : i32
    %and3A = arith.andi %ne3A, %ne3A_17 : i1
    %sub3A = arith.constant 1 : i32
    %sub3A_18 = arith.subi %div3A, %sub3A : i32
    %select_n3A = arith.select %and3A, %sub3A_18, %div3A : i32
    %jit3A_19 = arith.constant 8 : i32
    %eq3A = arith.constant 0 : i32
    %eq3A_20 = arith.cmpi eq, %jit3A_19, %eq3A : i32
    %jit3A_21 = arith.constant 1 : i32
    %select_n3A_22 = arith.select %eq3A_20, %jit3A_21, %jit3A_19 : i32
    %rem3A_23 = arith.remsi %add3A, %select_n3A_22 : i32
    %ne3A_24 = arith.constant 0 : i32
    %ne3A_25 = arith.cmpi ne, %rem3A_23, %ne3A_24 : i32
    %lt3A = arith.constant 0 : i32
    %lt3A_26 = arith.cmpi slt, %rem3A_23, %lt3A : i32
    %lt3A_27 = arith.constant 0 : i32
    %lt3A_28 = arith.cmpi slt, %select_n3A_22, %lt3A_27 : i32
    %ne3A_29 = arith.xori %lt3A_26, %lt3A_28 : i1
    %and3A_30 = arith.andi %ne3A_29, %ne3A_25 : i1
    %add3A_31 = arith.addi %rem3A_23, %select_n3A_22 : i32
    %select_n3A_32 = arith.select %and3A_30, %add3A_31, %rem3A_23 : i32
    %mul3A_33 = arith.constant 256 : i32
    %mul3A_34 = arith.muli %select_n3A_32, %mul3A_33 : i32
    "tpu.region"() ({
      %run_scoped3A = tpu.sem_alloc : memref<!tpu.dma_semaphore, #tpu.memory_space<semaphore_mem>>
      %dma_start3A_106 = tpu.memref_slice %arg2[%mul3A_2] : memref<8192xi32, #tpu.memory_space<hbm>> -> memref<256xi32, #tpu.memory_space<hbm>>
      %dma_start3A_107 = tpu.memref_slice %arg2[%mul3A_2] : memref<8192xi32, #tpu.memory_space<hbm>> -> memref<256xi32, #tpu.memory_space<hbm>>
      tpu.enqueue_dma source(%dma_start3A_107 : memref<256xi32, #tpu.memory_space<hbm>>) target(%arg7 : memref<256xi32, #tpu.memory_space<vmem>>) target_semaphore(%run_scoped3A : memref<!tpu.dma_semaphore, #tpu.memory_space<semaphore_mem>>)
      %dma_wait3A_108 = tpu.memref_slice %arg2[%mul3A_2] : memref<8192xi32, #tpu.memory_space<hbm>> -> memref<256xi32, #tpu.memory_space<hbm>>
      %dma_wait3A_109 = tpu.memref_slice %arg2[%mul3A_2] : memref<8192xi32, #tpu.memory_space<hbm>> -> memref<256xi32, #tpu.memory_space<hbm>>
      tpu.wait_dma2 semaphore(%run_scoped3A : memref<!tpu.dma_semaphore, #tpu.memory_space<semaphore_mem>>) src(%dma_wait3A_109 : memref<256xi32, #tpu.memory_space<hbm>>) dst(%arg7 : memref<256xi32, #tpu.memory_space<vmem>>)
      tpu.yield
    }) : () -> ()
    "tpu.region"() ({
      %run_scoped3A = tpu.sem_alloc : memref<!tpu.dma_semaphore, #tpu.memory_space<semaphore_mem>>
      %dma_start3A_106 = tpu.memref_slice %arg3[%mul3A_2] : memref<8192xi32, #tpu.memory_space<hbm>> -> memref<256xi32, #tpu.memory_space<hbm>>
      %dma_start3A_107 = tpu.memref_slice %arg3[%mul3A_2] : memref<8192xi32, #tpu.memory_space<hbm>> -> memref<256xi32, #tpu.memory_space<hbm>>
      tpu.enqueue_dma source(%dma_start3A_107 : memref<256xi32, #tpu.memory_space<hbm>>) target(%arg8 : memref<256xi32, #tpu.memory_space<vmem>>) target_semaphore(%run_scoped3A : memref<!tpu.dma_semaphore, #tpu.memory_space<semaphore_mem>>)
      %dma_wait3A_108 = tpu.memref_slice %arg3[%mul3A_2] : memref<8192xi32, #tpu.memory_space<hbm>> -> memref<256xi32, #tpu.memory_space<hbm>>
      %dma_wait3A_109 = tpu.memref_slice %arg3[%mul3A_2] : memref<8192xi32, #tpu.memory_space<hbm>> -> memref<256xi32, #tpu.memory_space<hbm>>
      tpu.wait_dma2 semaphore(%run_scoped3A : memref<!tpu.dma_semaphore, #tpu.memory_space<semaphore_mem>>) src(%dma_wait3A_109 : memref<256xi32, #tpu.memory_space<hbm>>) dst(%arg8 : memref<256xi32, #tpu.memory_space<vmem>>)
      tpu.yield
    }) : () -> ()
    %dma_start3A = arith.constant 0 : i32
    %dma_start3A_35 = tpu.memref_slice %arg7[%dma_start3A] : memref<256xi32, #tpu.memory_space<vmem>> -> memref<8xi32, #tpu.memory_space<vmem>>
    %dma_start3A_36 = arith.constant 0 : i32
    %dma_start3A_37 = arith.constant 0 : i32
    %dma_start3A_38 = tpu.memref_slice %arg4[%dma_start3A_36, %dma_start3A_37] : memref<49280x2048xf32, #tpu.memory_space<hbm>> -> memref<49280x2048xf32, #tpu.memory_space<hbm>>
    tpu.enqueue_indirect_dma source(%dma_start3A_38 : memref<49280x2048xf32, #tpu.memory_space<hbm>>) target(%arg9 : memref<8x2048xf32, #tpu.memory_space<vmem>>) offsets(%dma_start3A_35 : memref<8xi32, #tpu.memory_space<vmem>>) semaphore(%arg15 : memref<!tpu.dma_semaphore, #tpu.memory_space<semaphore_mem>>)
    %dma_start3A_39 = arith.constant 0 : i32
    %dma_start3A_40 = tpu.memref_slice %arg8[%dma_start3A_39] : memref<256xi32, #tpu.memory_space<vmem>> -> memref<8xi32, #tpu.memory_space<vmem>>
    %dma_start3A_41 = arith.constant 0 : i32
    %dma_start3A_42 = arith.constant 0 : i32
    %dma_start3A_43 = tpu.memref_slice %arg5[%dma_start3A_41, %dma_start3A_42] : memref<2048x2048xf32, #tpu.memory_space<hbm>> -> memref<2048x2048xf32, #tpu.memory_space<hbm>>
    tpu.enqueue_indirect_dma source(%dma_start3A_43 : memref<2048x2048xf32, #tpu.memory_space<hbm>>) target(%arg12 : memref<8x2048xf32, #tpu.memory_space<vmem>>) offsets(%dma_start3A_40 : memref<8xi32, #tpu.memory_space<vmem>>) semaphore(%arg18 : memref<!tpu.dma_semaphore, #tpu.memory_space<semaphore_mem>>)
    %dma_start3A_44 = arith.constant 8 : i32
    %dma_start3A_45 = tpu.memref_slice %arg7[%dma_start3A_44] : memref<256xi32, #tpu.memory_space<vmem>> -> memref<8xi32, #tpu.memory_space<vmem>>
    %dma_start3A_46 = arith.constant 0 : i32
    %dma_start3A_47 = arith.constant 0 : i32
    %dma_start3A_48 = tpu.memref_slice %arg4[%dma_start3A_46, %dma_start3A_47] : memref<49280x2048xf32, #tpu.memory_space<hbm>> -> memref<49280x2048xf32, #tpu.memory_space<hbm>>
    tpu.enqueue_indirect_dma source(%dma_start3A_48 : memref<49280x2048xf32, #tpu.memory_space<hbm>>) target(%arg10 : memref<8x2048xf32, #tpu.memory_space<vmem>>) offsets(%dma_start3A_45 : memref<8xi32, #tpu.memory_space<vmem>>) semaphore(%arg16 : memref<!tpu.dma_semaphore, #tpu.memory_space<semaphore_mem>>)
    %dma_start3A_49 = arith.constant 8 : i32
    %dma_start3A_50 = tpu.memref_slice %arg8[%dma_start3A_49] : memref<256xi32, #tpu.memory_space<vmem>> -> memref<8xi32, #tpu.memory_space<vmem>>
    %dma_start3A_51 = arith.constant 0 : i32
    %dma_start3A_52 = arith.constant 0 : i32
    %dma_start3A_53 = tpu.memref_slice %arg5[%dma_start3A_51, %dma_start3A_52] : memref<2048x2048xf32, #tpu.memory_space<hbm>> -> memref<2048x2048xf32, #tpu.memory_space<hbm>>
    tpu.enqueue_indirect_dma source(%dma_start3A_53 : memref<2048x2048xf32, #tpu.memory_space<hbm>>) target(%arg13 : memref<8x2048xf32, #tpu.memory_space<vmem>>) offsets(%dma_start3A_50 : memref<8xi32, #tpu.memory_space<vmem>>) semaphore(%arg19 : memref<!tpu.dma_semaphore, #tpu.memory_space<semaphore_mem>>)
    %dma_wait3A = arith.constant 0 : i32
    %dma_wait3A_54 = tpu.memref_slice %arg7[%dma_wait3A] : memref<256xi32, #tpu.memory_space<vmem>> -> memref<8xi32, #tpu.memory_space<vmem>>
    %dma_wait3A_55 = arith.constant 0 : i32
    %dma_wait3A_56 = arith.constant 0 : i32
    %dma_wait3A_57 = tpu.memref_slice %arg4[%dma_wait3A_55, %dma_wait3A_56] : memref<49280x2048xf32, #tpu.memory_space<hbm>> -> memref<49280x2048xf32, #tpu.memory_space<hbm>>
    tpu.wait_indirect_dma semaphore(%arg15 : memref<!tpu.dma_semaphore, #tpu.memory_space<semaphore_mem>>) src(%dma_wait3A_57 : memref<49280x2048xf32, #tpu.memory_space<hbm>>) dst(%arg9 : memref<8x2048xf32, #tpu.memory_space<vmem>>)
    %dma_wait3A_58 = arith.constant 0 : i32
    %dma_wait3A_59 = tpu.memref_slice %arg8[%dma_wait3A_58] : memref<256xi32, #tpu.memory_space<vmem>> -> memref<8xi32, #tpu.memory_space<vmem>>
    %dma_wait3A_60 = arith.constant 0 : i32
    %dma_wait3A_61 = arith.constant 0 : i32
    %dma_wait3A_62 = tpu.memref_slice %arg5[%dma_wait3A_60, %dma_wait3A_61] : memref<2048x2048xf32, #tpu.memory_space<hbm>> -> memref<2048x2048xf32, #tpu.memory_space<hbm>>
    tpu.wait_indirect_dma semaphore(%arg18 : memref<!tpu.dma_semaphore, #tpu.memory_space<semaphore_mem>>) src(%dma_wait3A_62 : memref<2048x2048xf32, #tpu.memory_space<hbm>>) dst(%arg12 : memref<8x2048xf32, #tpu.memory_space<vmem>>)
    %dma_start3A_63 = arith.constant 16 : i32
    %dma_start3A_64 = tpu.memref_slice %arg7[%dma_start3A_63] : memref<256xi32, #tpu.memory_space<vmem>> -> memref<8xi32, #tpu.memory_space<vmem>>
    %dma_start3A_65 = arith.constant 0 : i32
    %dma_start3A_66 = arith.constant 0 : i32
    %dma_start3A_67 = tpu.memref_slice %arg4[%dma_start3A_65, %dma_start3A_66] : memref<49280x2048xf32, #tpu.memory_space<hbm>> -> memref<49280x2048xf32, #tpu.memory_space<hbm>>
    tpu.enqueue_indirect_dma source(%dma_start3A_67 : memref<49280x2048xf32, #tpu.memory_space<hbm>>) target(%arg11 : memref<8x2048xf32, #tpu.memory_space<vmem>>) offsets(%dma_start3A_64 : memref<8xi32, #tpu.memory_space<vmem>>) semaphore(%arg17 : memref<!tpu.dma_semaphore, #tpu.memory_space<semaphore_mem>>)
    %dma_start3A_68 = arith.constant 16 : i32
    %dma_start3A_69 = tpu.memref_slice %arg8[%dma_start3A_68] : memref<256xi32, #tpu.memory_space<vmem>> -> memref<8xi32, #tpu.memory_space<vmem>>
    %dma_start3A_70 = arith.constant 0 : i32
    %dma_start3A_71 = arith.constant 0 : i32
    %dma_start3A_72 = tpu.memref_slice %arg5[%dma_start3A_70, %dma_start3A_71] : memref<2048x2048xf32, #tpu.memory_space<hbm>> -> memref<2048x2048xf32, #tpu.memory_space<hbm>>
    tpu.enqueue_indirect_dma source(%dma_start3A_72 : memref<2048x2048xf32, #tpu.memory_space<hbm>>) target(%arg14 : memref<8x2048xf32, #tpu.memory_space<vmem>>) offsets(%dma_start3A_69 : memref<8xi32, #tpu.memory_space<vmem>>) semaphore(%arg20 : memref<!tpu.dma_semaphore, #tpu.memory_space<semaphore_mem>>)
    %parallel_loop3A = arith.constant 0 : i32
    %parallel_loop3A_73 = arith.constant 1024 : i32
    %parallel_loop3A_74 = arith.constant 1 : i32
    scf.for %parallel_loop3A_106 = %parallel_loop3A to %parallel_loop3A_73 step %parallel_loop3A_74  : i32 {
      %parallel_loop3A_107 = arith.constant 128 : i32
      %parallel_loop3A_108 = arith.divsi %parallel_loop3A_106, %parallel_loop3A_107 : i32
      %parallel_loop3A_109 = arith.constant 0 : i32
      %parallel_loop3A_110 = arith.cmpi sgt, %parallel_loop3A_106, %parallel_loop3A_109 : i32
      %parallel_loop3A_111 = arith.extui %parallel_loop3A_110 : i1 to i32
      %parallel_loop3A_112 = arith.constant 0 : i32
      %parallel_loop3A_113 = arith.cmpi slt, %parallel_loop3A_106, %parallel_loop3A_112 : i32
      %parallel_loop3A_114 = arith.extui %parallel_loop3A_113 : i1 to i32
      %parallel_loop3A_115 = arith.subi %parallel_loop3A_111, %parallel_loop3A_114 : i32
      %parallel_loop3A_116 = arith.constant 0 : i32
      %parallel_loop3A_117 = arith.cmpi sgt, %parallel_loop3A_107, %parallel_loop3A_116 : i32
      %parallel_loop3A_118 = arith.extui %parallel_loop3A_117 : i1 to i32
      %parallel_loop3A_119 = arith.constant 0 : i32
      %parallel_loop3A_120 = arith.cmpi slt, %parallel_loop3A_107, %parallel_loop3A_119 : i32
      %parallel_loop3A_121 = arith.extui %parallel_loop3A_120 : i1 to i32
      %parallel_loop3A_122 = arith.subi %parallel_loop3A_118, %parallel_loop3A_121 : i32
      %parallel_loop3A_123 = arith.cmpi ne, %parallel_loop3A_115, %parallel_loop3A_122 : i32
      %parallel_loop3A_124 = arith.remsi %parallel_loop3A_106, %parallel_loop3A_107 : i32
      %parallel_loop3A_125 = arith.constant 0 : i32
      %parallel_loop3A_126 = arith.cmpi ne, %parallel_loop3A_124, %parallel_loop3A_125 : i32
      %parallel_loop3A_127 = arith.andi %parallel_loop3A_123, %parallel_loop3A_126 : i1
      %parallel_loop3A_128 = arith.constant 1 : i32
      %parallel_loop3A_129 = arith.subi %parallel_loop3A_108, %parallel_loop3A_128 : i32
      %parallel_loop3A_130 = arith.select %parallel_loop3A_127, %parallel_loop3A_129, %parallel_loop3A_108 : i32
      %parallel_loop3A_131 = arith.constant 128 : i32
      %parallel_loop3A_132 = arith.constant 0 : i32
      %parallel_loop3A_133 = arith.cmpi eq, %parallel_loop3A_131, %parallel_loop3A_132 : i32
      %parallel_loop3A_134 = arith.constant 1 : i32
      %parallel_loop3A_135 = arith.select %parallel_loop3A_133, %parallel_loop3A_134, %parallel_loop3A_131 : i32
      %parallel_loop3A_136 = arith.remsi %parallel_loop3A_106, %parallel_loop3A_135 : i32
      %parallel_loop3A_137 = arith.constant 0 : i32
      %parallel_loop3A_138 = arith.cmpi ne, %parallel_loop3A_136, %parallel_loop3A_137 : i32
      %parallel_loop3A_139 = arith.constant 0 : i32
      %parallel_loop3A_140 = arith.cmpi slt, %parallel_loop3A_136, %parallel_loop3A_139 : i32
      %parallel_loop3A_141 = arith.constant 0 : i32
      %parallel_loop3A_142 = arith.cmpi slt, %parallel_loop3A_135, %parallel_loop3A_141 : i32
      %parallel_loop3A_143 = arith.xori %parallel_loop3A_140, %parallel_loop3A_142 : i1
      %parallel_loop3A_144 = arith.andi %parallel_loop3A_143, %parallel_loop3A_138 : i1
      %parallel_loop3A_145 = arith.addi %parallel_loop3A_136, %parallel_loop3A_135 : i32
      %parallel_loop3A_146 = arith.select %parallel_loop3A_144, %parallel_loop3A_145, %parallel_loop3A_136 : i32
      %parallel_loop3A_147 = arith.constant 16 : i32
      %parallel_loop3A_148 = arith.muli %parallel_loop3A_146, %parallel_loop3A_147 : i32
      %parallel_loop3A_149 = arith.index_cast %parallel_loop3A_130 : i32 to index
      %parallel_loop3A_150 = arith.index_cast %parallel_loop3A_148 : i32 to index
      %parallel_loop3A_151 = tpu.vector_load %arg12[%parallel_loop3A_149, %parallel_loop3A_150] {strides = array<i32>} : memref<8x2048xf32, #tpu.memory_space<vmem>>, vector<1x16xf32>,
      %parallel_loop3A_152 = vector.shape_cast %parallel_loop3A_151 : vector<1x16xf32> to vector<16xf32>
      %parallel_loop3A_153 = arith.index_cast %parallel_loop3A_130 : i32 to index
      %parallel_loop3A_154 = arith.index_cast %parallel_loop3A_148 : i32 to index
      %parallel_loop3A_155 = tpu.vector_load %arg9[%parallel_loop3A_153, %parallel_loop3A_154] {strides = array<i32>} : memref<8x2048xf32, #tpu.memory_space<vmem>>, vector<1x16xf32>,
      %parallel_loop3A_156 = vector.shape_cast %parallel_loop3A_155 : vector<1x16xf32> to vector<16xf32>
      %parallel_loop3A_157 = vector.shape_cast %parallel_loop3A_152 : vector<16xf32> to vector<1x16xf32>
      tpu.vector_store %arg9[%parallel_loop3A_153, %parallel_loop3A_154], %parallel_loop3A_157 {add = true, strides = array<i32>} : memref<8x2048xf32, #tpu.memory_space<vmem>>, vector<1x16xf32>,
    } {sc.loop_unroll_factor = 16 : i64, sc.parallel_access}
    %add3A_75 = arith.constant 0 : i32
    %add3A_76 = arith.addi %mul3A_34, %add3A_75 : i32
    %dma_start3A_77 = arith.constant 0 : i32
    %dma_start3A_78 = tpu.memref_slice %arg6[%select_n3A, %add3A_76, %dma_start3A_77] : memref<4x2048x2048xf32, #tpu.memory_space<hbm>> -> memref<1x8x2048xf32, #tpu.memory_space<hbm>>
    %dma_start3A_79 = tpu.memref_squeeze %dma_start3A_78 : memref<1x8x2048xf32, #tpu.memory_space<hbm>> -> memref<8x2048xf32, #tpu.memory_space<hbm>>
    %dma_start3A_80 = arith.constant 0 : i32
    %dma_start3A_81 = tpu.memref_slice %arg6[%select_n3A, %add3A_76, %dma_start3A_80] : memref<4x2048x2048xf32, #tpu.memory_space<hbm>> -> memref<1x8x2048xf32, #tpu.memory_space<hbm>>
    %dma_start3A_82 = tpu.memref_squeeze %dma_start3A_81 : memref<1x8x2048xf32, #tpu.memory_space<hbm>> -> memref<8x2048xf32, #tpu.memory_space<hbm>>
    tpu.enqueue_dma source(%arg9 : memref<8x2048xf32, #tpu.memory_space<vmem>>) target(%dma_start3A_82 : memref<8x2048xf32, #tpu.memory_space<hbm>>) target_semaphore(%arg21 : memref<!tpu.dma_semaphore, #tpu.memory_space<semaphore_mem>>)
    %scan3A = arith.constant 0 : i32
    %scan3A_83 = arith.constant 0 : i32
    %scan3A_84 = arith.constant 11 : i32
    %scan3A_85 = arith.addi %scan3A_83, %scan3A_84 : i32
    %scan3A_86 = arith.constant 1 : i32
    scf.for %scan3A_106 = %scan3A_83 to %scan3A_85 step %scan3A_86  : i32 {
      %mul3A_107 = arith.constant 3 : i32
      %mul3A_108 = arith.muli %scan3A_106, %mul3A_107 : i32
      %add3A_109 = arith.constant 1 : i32
      %add3A_110 = arith.addi %add3A_109, %mul3A_108 : i32
      %add3A_111 = arith.constant 0 : i32
      %add3A_112 = arith.addi %add3A_110, %add3A_111 : i32
      %lt3A_113 = arith.constant 32 : i32
      %lt3A_114 = arith.cmpi slt, %add3A_112, %lt3A_113 : i32
      %convert_element_type3A = arith.extui %lt3A_114 : i1 to i32
      %cond3A = arith.constant 0 : i32
      %cond3A_115 = arith.cmpi ne, %convert_element_type3A, %cond3A : i32
      scf.if %cond3A_115 {
        %dma_wait3A_130 = arith.constant 0 : i32
        %dma_wait3A_131 = tpu.memref_slice %arg7[%dma_wait3A_130] : memref<256xi32, #tpu.memory_space<vmem>> -> memref<8xi32, #tpu.memory_space<vmem>>
        %dma_wait3A_132 = arith.constant 0 : i32
        %dma_wait3A_133 = arith.constant 0 : i32
        %dma_wait3A_134 = tpu.memref_slice %arg4[%dma_wait3A_132, %dma_wait3A_133] : memref<49280x2048xf32, #tpu.memory_space<hbm>> -> memref<49280x2048xf32, #tpu.memory_space<hbm>>
        tpu.wait_indirect_dma semaphore(%arg16 : memref<!tpu.dma_semaphore, #tpu.memory_space<semaphore_mem>>) src(%dma_wait3A_134 : memref<49280x2048xf32, #tpu.memory_space<hbm>>) dst(%arg10 : memref<8x2048xf32, #tpu.memory_space<vmem>>)
        %dma_wait3A_135 = arith.constant 0 : i32
        %dma_wait3A_136 = tpu.memref_slice %arg8[%dma_wait3A_135] : memref<256xi32, #tpu.memory_space<vmem>> -> memref<8xi32, #tpu.memory_space<vmem>>
        %dma_wait3A_137 = arith.constant 0 : i32
        %dma_wait3A_138 = arith.constant 0 : i32
        %dma_wait3A_139 = tpu.memref_slice %arg5[%dma_wait3A_137, %dma_wait3A_138] : memref<2048x2048xf32, #tpu.memory_space<hbm>> -> memref<2048x2048xf32, #tpu.memory_space<hbm>>
        tpu.wait_indirect_dma semaphore(%arg19 : memref<!tpu.dma_semaphore, #tpu.memory_space<semaphore_mem>>) src(%dma_wait3A_139 : memref<2048x2048xf32, #tpu.memory_space<hbm>>) dst(%arg13 : memref<8x2048xf32, #tpu.memory_space<vmem>>)
        %add3A_140 = arith.constant 2 : i32
        %add3A_141 = arith.addi %add3A_112, %add3A_140 : i32
        %lt3A_142 = arith.constant 32 : i32
        %lt3A_143 = arith.cmpi slt, %add3A_141, %lt3A_142 : i32
        %convert_element_type3A_144 = arith.extui %lt3A_143 : i1 to i32
        %cond3A_145 = arith.constant 0 : i32
        %cond3A_146 = arith.cmpi ne, %convert_element_type3A_144, %cond3A_145 : i32
        scf.if %cond3A_146 {
          %dma_wait3A_159 = arith.constant 0 : i32
          %dma_wait3A_160 = tpu.memref_slice %arg6[%select_n3A, %mul3A_34, %dma_wait3A_159] : memref<4x2048x2048xf32, #tpu.memory_space<hbm>> -> memref<1x8x2048xf32, #tpu.memory_space<hbm>>
          %dma_wait3A_161 = tpu.memref_squeeze %dma_wait3A_160 : memref<1x8x2048xf32, #tpu.memory_space<hbm>> -> memref<8x2048xf32, #tpu.memory_space<hbm>>
          %dma_wait3A_162 = arith.constant 0 : i32
          %dma_wait3A_163 = tpu.memref_slice %arg6[%select_n3A, %mul3A_34, %dma_wait3A_162] : memref<4x2048x2048xf32, #tpu.memory_space<hbm>> -> memref<1x8x2048xf32, #tpu.memory_space<hbm>>
          %dma_wait3A_164 = tpu.memref_squeeze %dma_wait3A_163 : memref<1x8x2048xf32, #tpu.memory_space<hbm>> -> memref<8x2048xf32, #tpu.memory_space<hbm>>
          tpu.wait_dma2 semaphore(%arg21 : memref<!tpu.dma_semaphore, #tpu.memory_space<semaphore_mem>>) src(%arg9 : memref<8x2048xf32, #tpu.memory_space<vmem>>) dst(%dma_wait3A_164 : memref<8x2048xf32, #tpu.memory_space<hbm>>)
          %add3A_165 = arith.constant 2 : i32
          %add3A_166 = arith.addi %add3A_112, %add3A_165 : i32
          %mul3A_167 = arith.constant 8 : i32
          %mul3A_168 = arith.muli %add3A_166, %mul3A_167 : i32
          %dma_start3A_169 = tpu.memref_slice %arg7[%mul3A_168] : memref<256xi32, #tpu.memory_space<vmem>> -> memref<8xi32, #tpu.memory_space<vmem>>
          %dma_start3A_170 = arith.constant 0 : i32
          %dma_start3A_171 = arith.constant 0 : i32
          %dma_start3A_172 = tpu.memref_slice %arg4[%dma_start3A_170, %dma_start3A_171] : memref<49280x2048xf32, #tpu.memory_space<hbm>> -> memref<49280x2048xf32, #tpu.memory_space<hbm>>
          tpu.enqueue_indirect_dma source(%dma_start3A_172 : memref<49280x2048xf32, #tpu.memory_space<hbm>>) target(%arg9 : memref<8x2048xf32, #tpu.memory_space<vmem>>) offsets(%dma_start3A_169 : memref<8xi32, #tpu.memory_space<vmem>>) semaphore(%arg15 : memref<!tpu.dma_semaphore, #tpu.memory_space<semaphore_mem>>)
          %dma_start3A_173 = tpu.memref_slice %arg8[%mul3A_168] : memref<256xi32, #tpu.memory_space<vmem>> -> memref<8xi32, #tpu.memory_space<vmem>>
          %dma_start3A_174 = arith.constant 0 : i32
          %dma_start3A_175 = arith.constant 0 : i32
          %dma_start3A_176 = tpu.memref_slice %arg5[%dma_start3A_174, %dma_start3A_175] : memref<2048x2048xf32, #tpu.memory_space<hbm>> -> memref<2048x2048xf32, #tpu.memory_space<hbm>>
          tpu.enqueue_indirect_dma source(%dma_start3A_176 : memref<2048x2048xf32, #tpu.memory_space<hbm>>) target(%arg12 : memref<8x2048xf32, #tpu.memory_space<vmem>>) offsets(%dma_start3A_173 : memref<8xi32, #tpu.memory_space<vmem>>) semaphore(%arg18 : memref<!tpu.dma_semaphore, #tpu.memory_space<semaphore_mem>>)
        } else {
        }
        %parallel_loop3A_147 = arith.constant 0 : i32
        %parallel_loop3A_148 = arith.constant 1024 : i32
        %parallel_loop3A_149 = arith.constant 1 : i32
        scf.for %parallel_loop3A_159 = %parallel_loop3A_147 to %parallel_loop3A_148 step %parallel_loop3A_149  : i32 {
          %parallel_loop3A_160 = arith.constant 128 : i32
          %parallel_loop3A_161 = arith.divsi %parallel_loop3A_159, %parallel_loop3A_160 : i32
          %parallel_loop3A_162 = arith.constant 0 : i32
          %parallel_loop3A_163 = arith.cmpi sgt, %parallel_loop3A_159, %parallel_loop3A_162 : i32
          %parallel_loop3A_164 = arith.extui %parallel_loop3A_163 : i1 to i32
          %parallel_loop3A_165 = arith.constant 0 : i32
          %parallel_loop3A_166 = arith.cmpi slt, %parallel_loop3A_159, %parallel_loop3A_165 : i32
          %parallel_loop3A_167 = arith.extui %parallel_loop3A_166 : i1 to i32
          %parallel_loop3A_168 = arith.subi %parallel_loop3A_164, %parallel_loop3A_167 : i32
          %parallel_loop3A_169 = arith.constant 0 : i32
          %parallel_loop3A_170 = arith.cmpi sgt, %parallel_loop3A_160, %parallel_loop3A_169 : i32
          %parallel_loop3A_171 = arith.extui %parallel_loop3A_170 : i1 to i32
          %parallel_loop3A_172 = arith.constant 0 : i32
          %parallel_loop3A_173 = arith.cmpi slt, %parallel_loop3A_160, %parallel_loop3A_172 : i32
          %parallel_loop3A_174 = arith.extui %parallel_loop3A_173 : i1 to i32
          %parallel_loop3A_175 = arith.subi %parallel_loop3A_171, %parallel_loop3A_174 : i32
          %parallel_loop3A_176 = arith.cmpi ne, %parallel_loop3A_168, %parallel_loop3A_175 : i32
          %parallel_loop3A_177 = arith.remsi %parallel_loop3A_159, %parallel_loop3A_160 : i32
          %parallel_loop3A_178 = arith.constant 0 : i32
          %parallel_loop3A_179 = arith.cmpi ne, %parallel_loop3A_177, %parallel_loop3A_178 : i32
          %parallel_loop3A_180 = arith.andi %parallel_loop3A_176, %parallel_loop3A_179 : i1
          %parallel_loop3A_181 = arith.constant 1 : i32
          %parallel_loop3A_182 = arith.subi %parallel_loop3A_161, %parallel_loop3A_181 : i32
          %parallel_loop3A_183 = arith.select %parallel_loop3A_180, %parallel_loop3A_182, %parallel_loop3A_161 : i32
          %parallel_loop3A_184 = arith.constant 128 : i32
          %parallel_loop3A_185 = arith.constant 0 : i32
          %parallel_loop3A_186 = arith.cmpi eq, %parallel_loop3A_184, %parallel_loop3A_185 : i32
          %parallel_loop3A_187 = arith.constant 1 : i32
          %parallel_loop3A_188 = arith.select %parallel_loop3A_186, %parallel_loop3A_187, %parallel_loop3A_184 : i32
          %parallel_loop3A_189 = arith.remsi %parallel_loop3A_159, %parallel_loop3A_188 : i32
          %parallel_loop3A_190 = arith.constant 0 : i32
          %parallel_loop3A_191 = arith.cmpi ne, %parallel_loop3A_189, %parallel_loop3A_190 : i32
          %parallel_loop3A_192 = arith.constant 0 : i32
          %parallel_loop3A_193 = arith.cmpi slt, %parallel_loop3A_189, %parallel_loop3A_192 : i32
          %parallel_loop3A_194 = arith.constant 0 : i32
          %parallel_loop3A_195 = arith.cmpi slt, %parallel_loop3A_188, %parallel_loop3A_194 : i32
          %parallel_loop3A_196 = arith.xori %parallel_loop3A_193, %parallel_loop3A_195 : i1
          %parallel_loop3A_197 = arith.andi %parallel_loop3A_196, %parallel_loop3A_191 : i1
          %parallel_loop3A_198 = arith.addi %parallel_loop3A_189, %parallel_loop3A_188 : i32
          %parallel_loop3A_199 = arith.select %parallel_loop3A_197, %parallel_loop3A_198, %parallel_loop3A_189 : i32
          %parallel_loop3A_200 = arith.constant 16 : i32
          %parallel_loop3A_201 = arith.muli %parallel_loop3A_199, %parallel_loop3A_200 : i32
          %parallel_loop3A_202 = arith.index_cast %parallel_loop3A_183 : i32 to index
          %parallel_loop3A_203 = arith.index_cast %parallel_loop3A_201 : i32 to index
          %parallel_loop3A_204 = tpu.vector_load %arg13[%parallel_loop3A_202, %parallel_loop3A_203] {strides = array<i32>} : memref<8x2048xf32, #tpu.memory_space<vmem>>, vector<1x16xf32>,
          %parallel_loop3A_205 = vector.shape_cast %parallel_loop3A_204 : vector<1x16xf32> to vector<16xf32>
          %parallel_loop3A_206 = arith.index_cast %parallel_loop3A_183 : i32 to index
          %parallel_loop3A_207 = arith.index_cast %parallel_loop3A_201 : i32 to index
          %parallel_loop3A_208 = tpu.vector_load %arg10[%parallel_loop3A_206, %parallel_loop3A_207] {strides = array<i32>} : memref<8x2048xf32, #tpu.memory_space<vmem>>, vector<1x16xf32>,
          %parallel_loop3A_209 = vector.shape_cast %parallel_loop3A_208 : vector<1x16xf32> to vector<16xf32>
          %parallel_loop3A_210 = vector.shape_cast %parallel_loop3A_205 : vector<16xf32> to vector<1x16xf32>
          tpu.vector_store %arg10[%parallel_loop3A_206, %parallel_loop3A_207], %parallel_loop3A_210 {add = true, strides = array<i32>} : memref<8x2048xf32, #tpu.memory_space<vmem>>, vector<1x16xf32>,
        } {sc.loop_unroll_factor = 16 : i64, sc.parallel_access}
        %mul3A_150 = arith.constant 8 : i32
        %mul3A_151 = arith.muli %add3A_112, %mul3A_150 : i32
        %add3A_152 = arith.addi %mul3A_34, %mul3A_151 : i32
        %dma_start3A_153 = arith.constant 0 : i32
        %dma_start3A_154 = tpu.memref_slice %arg6[%select_n3A, %add3A_152, %dma_start3A_153] : memref<4x2048x2048xf32, #tpu.memory_space<hbm>> -> memref<1x8x2048xf32, #tpu.memory_space<hbm>>
        %dma_start3A_155 = tpu.memref_squeeze %dma_start3A_154 : memref<1x8x2048xf32, #tpu.memory_space<hbm>> -> memref<8x2048xf32, #tpu.memory_space<hbm>>
        %dma_start3A_156 = arith.constant 0 : i32
        %dma_start3A_157 = tpu.memref_slice %arg6[%select_n3A, %add3A_152, %dma_start3A_156] : memref<4x2048x2048xf32, #tpu.memory_space<hbm>> -> memref<1x8x2048xf32, #tpu.memory_space<hbm>>
        %dma_start3A_158 = tpu.memref_squeeze %dma_start3A_157 : memref<1x8x2048xf32, #tpu.memory_space<hbm>> -> memref<8x2048xf32, #tpu.memory_space<hbm>>
        tpu.enqueue_dma source(%arg10 : memref<8x2048xf32, #tpu.memory_space<vmem>>) target(%dma_start3A_158 : memref<8x2048xf32, #tpu.memory_space<hbm>>) target_semaphore(%arg22 : memref<!tpu.dma_semaphore, #tpu.memory_space<semaphore_mem>>)
      } else {
      }
      %add3A_116 = arith.constant 1 : i32
      %add3A_117 = arith.addi %add3A_110, %add3A_116 : i32
      %lt3A_118 = arith.constant 32 : i32
      %lt3A_119 = arith.cmpi slt, %add3A_117, %lt3A_118 : i32
      %convert_element_type3A_120 = arith.extui %lt3A_119 : i1 to i32
      %cond3A_121 = arith.constant 0 : i32
      %cond3A_122 = arith.cmpi ne, %convert_element_type3A_120, %cond3A_121 : i32
      scf.if %cond3A_122 {
        %dma_wait3A_130 = arith.constant 0 : i32
        %dma_wait3A_131 = tpu.memref_slice %arg7[%dma_wait3A_130] : memref<256xi32, #tpu.memory_space<vmem>> -> memref<8xi32, #tpu.memory_space<vmem>>
        %dma_wait3A_132 = arith.constant 0 : i32
        %dma_wait3A_133 = arith.constant 0 : i32
        %dma_wait3A_134 = tpu.memref_slice %arg4[%dma_wait3A_132, %dma_wait3A_133] : memref<49280x2048xf32, #tpu.memory_space<hbm>> -> memref<49280x2048xf32, #tpu.memory_space<hbm>>
        tpu.wait_indirect_dma semaphore(%arg17 : memref<!tpu.dma_semaphore, #tpu.memory_space<semaphore_mem>>) src(%dma_wait3A_134 : memref<49280x2048xf32, #tpu.memory_space<hbm>>) dst(%arg11 : memref<8x2048xf32, #tpu.memory_space<vmem>>)
        %dma_wait3A_135 = arith.constant 0 : i32
        %dma_wait3A_136 = tpu.memref_slice %arg8[%dma_wait3A_135] : memref<256xi32, #tpu.memory_space<vmem>> -> memref<8xi32, #tpu.memory_space<vmem>>
        %dma_wait3A_137 = arith.constant 0 : i32
        %dma_wait3A_138 = arith.constant 0 : i32
        %dma_wait3A_139 = tpu.memref_slice %arg5[%dma_wait3A_137, %dma_wait3A_138] : memref<2048x2048xf32, #tpu.memory_space<hbm>> -> memref<2048x2048xf32, #tpu.memory_space<hbm>>
        tpu.wait_indirect_dma semaphore(%arg20 : memref<!tpu.dma_semaphore, #tpu.memory_space<semaphore_mem>>) src(%dma_wait3A_139 : memref<2048x2048xf32, #tpu.memory_space<hbm>>) dst(%arg14 : memref<8x2048xf32, #tpu.memory_space<vmem>>)
        %add3A_140 = arith.constant 2 : i32
        %add3A_141 = arith.addi %add3A_117, %add3A_140 : i32
        %lt3A_142 = arith.constant 32 : i32
        %lt3A_143 = arith.cmpi slt, %add3A_141, %lt3A_142 : i32
        %convert_element_type3A_144 = arith.extui %lt3A_143 : i1 to i32
        %cond3A_145 = arith.constant 0 : i32
        %cond3A_146 = arith.cmpi ne, %convert_element_type3A_144, %cond3A_145 : i32
        scf.if %cond3A_146 {
          %dma_wait3A_159 = arith.constant 0 : i32
          %dma_wait3A_160 = tpu.memref_slice %arg6[%select_n3A, %mul3A_34, %dma_wait3A_159] : memref<4x2048x2048xf32, #tpu.memory_space<hbm>> -> memref<1x8x2048xf32, #tpu.memory_space<hbm>>
          %dma_wait3A_161 = tpu.memref_squeeze %dma_wait3A_160 : memref<1x8x2048xf32, #tpu.memory_space<hbm>> -> memref<8x2048xf32, #tpu.memory_space<hbm>>
          %dma_wait3A_162 = arith.constant 0 : i32
          %dma_wait3A_163 = tpu.memref_slice %arg6[%select_n3A, %mul3A_34, %dma_wait3A_162] : memref<4x2048x2048xf32, #tpu.memory_space<hbm>> -> memref<1x8x2048xf32, #tpu.memory_space<hbm>>
          %dma_wait3A_164 = tpu.memref_squeeze %dma_wait3A_163 : memref<1x8x2048xf32, #tpu.memory_space<hbm>> -> memref<8x2048xf32, #tpu.memory_space<hbm>>
          tpu.wait_dma2 semaphore(%arg22 : memref<!tpu.dma_semaphore, #tpu.memory_space<semaphore_mem>>) src(%arg10 : memref<8x2048xf32, #tpu.memory_space<vmem>>) dst(%dma_wait3A_164 : memref<8x2048xf32, #tpu.memory_space<hbm>>)
          %add3A_165 = arith.constant 2 : i32
          %add3A_166 = arith.addi %add3A_117, %add3A_165 : i32
          %mul3A_167 = arith.constant 8 : i32
          %mul3A_168 = arith.muli %add3A_166, %mul3A_167 : i32
          %dma_start3A_169 = tpu.memref_slice %arg7[%mul3A_168] : memref<256xi32, #tpu.memory_space<vmem>> -> memref<8xi32, #tpu.memory_space<vmem>>
          %dma_start3A_170 = arith.constant 0 : i32
          %dma_start3A_171 = arith.constant 0 : i32
          %dma_start3A_172 = tpu.memref_slice %arg4[%dma_start3A_170, %dma_start3A_171] : memref<49280x2048xf32, #tpu.memory_space<hbm>> -> memref<49280x2048xf32, #tpu.memory_space<hbm>>
          tpu.enqueue_indirect_dma source(%dma_start3A_172 : memref<49280x2048xf32, #tpu.memory_space<hbm>>) target(%arg10 : memref<8x2048xf32, #tpu.memory_space<vmem>>) offsets(%dma_start3A_169 : memref<8xi32, #tpu.memory_space<vmem>>) semaphore(%arg16 : memref<!tpu.dma_semaphore, #tpu.memory_space<semaphore_mem>>)
          %dma_start3A_173 = tpu.memref_slice %arg8[%mul3A_168] : memref<256xi32, #tpu.memory_space<vmem>> -> memref<8xi32, #tpu.memory_space<vmem>>
          %dma_start3A_174 = arith.constant 0 : i32
          %dma_start3A_175 = arith.constant 0 : i32
          %dma_start3A_176 = tpu.memref_slice %arg5[%dma_start3A_174, %dma_start3A_175] : memref<2048x2048xf32, #tpu.memory_space<hbm>> -> memref<2048x2048xf32, #tpu.memory_space<hbm>>
          tpu.enqueue_indirect_dma source(%dma_start3A_176 : memref<2048x2048xf32, #tpu.memory_space<hbm>>) target(%arg13 : memref<8x2048xf32, #tpu.memory_space<vmem>>) offsets(%dma_start3A_173 : memref<8xi32, #tpu.memory_space<vmem>>) semaphore(%arg19 : memref<!tpu.dma_semaphore, #tpu.memory_space<semaphore_mem>>)
        } else {
        }
        %parallel_loop3A_147 = arith.constant 0 : i32
        %parallel_loop3A_148 = arith.constant 1024 : i32
        %parallel_loop3A_149 = arith.constant 1 : i32
        scf.for %parallel_loop3A_159 = %parallel_loop3A_147 to %parallel_loop3A_148 step %parallel_loop3A_149  : i32 {
          %parallel_loop3A_160 = arith.constant 128 : i32
          %parallel_loop3A_161 = arith.divsi %parallel_loop3A_159, %parallel_loop3A_160 : i32
          %parallel_loop3A_162 = arith.constant 0 : i32
          %parallel_loop3A_163 = arith.cmpi sgt, %parallel_loop3A_159, %parallel_loop3A_162 : i32
          %parallel_loop3A_164 = arith.extui %parallel_loop3A_163 : i1 to i32
          %parallel_loop3A_165 = arith.constant 0 : i32
          %parallel_loop3A_166 = arith.cmpi slt, %parallel_loop3A_159, %parallel_loop3A_165 : i32
          %parallel_loop3A_167 = arith.extui %parallel_loop3A_166 : i1 to i32
          %parallel_loop3A_168 = arith.subi %parallel_loop3A_164, %parallel_loop3A_167 : i32
          %parallel_loop3A_169 = arith.constant 0 : i32
          %parallel_loop3A_170 = arith.cmpi sgt, %parallel_loop3A_160, %parallel_loop3A_169 : i32
          %parallel_loop3A_171 = arith.extui %parallel_loop3A_170 : i1 to i32
          %parallel_loop3A_172 = arith.constant 0 : i32
          %parallel_loop3A_173 = arith.cmpi slt, %parallel_loop3A_160, %parallel_loop3A_172 : i32
          %parallel_loop3A_174 = arith.extui %parallel_loop3A_173 : i1 to i32
          %parallel_loop3A_175 = arith.subi %parallel_loop3A_171, %parallel_loop3A_174 : i32
          %parallel_loop3A_176 = arith.cmpi ne, %parallel_loop3A_168, %parallel_loop3A_175 : i32
          %parallel_loop3A_177 = arith.remsi %parallel_loop3A_159, %parallel_loop3A_160 : i32
          %parallel_loop3A_178 = arith.constant 0 : i32
          %parallel_loop3A_179 = arith.cmpi ne, %parallel_loop3A_177, %parallel_loop3A_178 : i32
          %parallel_loop3A_180 = arith.andi %parallel_loop3A_176, %parallel_loop3A_179 : i1
          %parallel_loop3A_181 = arith.constant 1 : i32
          %parallel_loop3A_182 = arith.subi %parallel_loop3A_161, %parallel_loop3A_181 : i32
          %parallel_loop3A_183 = arith.select %parallel_loop3A_180, %parallel_loop3A_182, %parallel_loop3A_161 : i32
          %parallel_loop3A_184 = arith.constant 128 : i32
          %parallel_loop3A_185 = arith.constant 0 : i32
          %parallel_loop3A_186 = arith.cmpi eq, %parallel_loop3A_184, %parallel_loop3A_185 : i32
          %parallel_loop3A_187 = arith.constant 1 : i32
          %parallel_loop3A_188 = arith.select %parallel_loop3A_186, %parallel_loop3A_187, %parallel_loop3A_184 : i32
          %parallel_loop3A_189 = arith.remsi %parallel_loop3A_159, %parallel_loop3A_188 : i32
          %parallel_loop3A_190 = arith.constant 0 : i32
          %parallel_loop3A_191 = arith.cmpi ne, %parallel_loop3A_189, %parallel_loop3A_190 : i32
          %parallel_loop3A_192 = arith.constant 0 : i32
          %parallel_loop3A_193 = arith.cmpi slt, %parallel_loop3A_189, %parallel_loop3A_192 : i32
          %parallel_loop3A_194 = arith.constant 0 : i32
          %parallel_loop3A_195 = arith.cmpi slt, %parallel_loop3A_188, %parallel_loop3A_194 : i32
          %parallel_loop3A_196 = arith.xori %parallel_loop3A_193, %parallel_loop3A_195 : i1
          %parallel_loop3A_197 = arith.andi %parallel_loop3A_196, %parallel_loop3A_191 : i1
          %parallel_loop3A_198 = arith.addi %parallel_loop3A_189, %parallel_loop3A_188 : i32
          %parallel_loop3A_199 = arith.select %parallel_loop3A_197, %parallel_loop3A_198, %parallel_loop3A_189 : i32
          %parallel_loop3A_200 = arith.constant 16 : i32
          %parallel_loop3A_201 = arith.muli %parallel_loop3A_199, %parallel_loop3A_200 : i32
          %parallel_loop3A_202 = arith.index_cast %parallel_loop3A_183 : i32 to index
          %parallel_loop3A_203 = arith.index_cast %parallel_loop3A_201 : i32 to index
          %parallel_loop3A_204 = tpu.vector_load %arg14[%parallel_loop3A_202, %parallel_loop3A_203] {strides = array<i32>} : memref<8x2048xf32, #tpu.memory_space<vmem>>, vector<1x16xf32>,
          %parallel_loop3A_205 = vector.shape_cast %parallel_loop3A_204 : vector<1x16xf32> to vector<16xf32>
          %parallel_loop3A_206 = arith.index_cast %parallel_loop3A_183 : i32 to index
          %parallel_loop3A_207 = arith.index_cast %parallel_loop3A_201 : i32 to index
          %parallel_loop3A_208 = tpu.vector_load %arg11[%parallel_loop3A_206, %parallel_loop3A_207] {strides = array<i32>} : memref<8x2048xf32, #tpu.memory_space<vmem>>, vector<1x16xf32>,
          %parallel_loop3A_209 = vector.shape_cast %parallel_loop3A_208 : vector<1x16xf32> to vector<16xf32>
          %parallel_loop3A_210 = vector.shape_cast %parallel_loop3A_205 : vector<16xf32> to vector<1x16xf32>
          tpu.vector_store %arg11[%parallel_loop3A_206, %parallel_loop3A_207], %parallel_loop3A_210 {add = true, strides = array<i32>} : memref<8x2048xf32, #tpu.memory_space<vmem>>, vector<1x16xf32>,
        } {sc.loop_unroll_factor = 16 : i64, sc.parallel_access}
        %mul3A_150 = arith.constant 8 : i32
        %mul3A_151 = arith.muli %add3A_117, %mul3A_150 : i32
        %add3A_152 = arith.addi %mul3A_34, %mul3A_151 : i32
        %dma_start3A_153 = arith.constant 0 : i32
        %dma_start3A_154 = tpu.memref_slice %arg6[%select_n3A, %add3A_152, %dma_start3A_153] : memref<4x2048x2048xf32, #tpu.memory_space<hbm>> -> memref<1x8x2048xf32, #tpu.memory_space<hbm>>
        %dma_start3A_155 = tpu.memref_squeeze %dma_start3A_154 : memref<1x8x2048xf32, #tpu.memory_space<hbm>> -> memref<8x2048xf32, #tpu.memory_space<hbm>>
        %dma_start3A_156 = arith.constant 0 : i32
        %dma_start3A_157 = tpu.memref_slice %arg6[%select_n3A, %add3A_152, %dma_start3A_156] : memref<4x2048x2048xf32, #tpu.memory_space<hbm>> -> memref<1x8x2048xf32, #tpu.memory_space<hbm>>
        %dma_start3A_158 = tpu.memref_squeeze %dma_start3A_157 : memref<1x8x2048xf32, #tpu.memory_space<hbm>> -> memref<8x2048xf32, #tpu.memory_space<hbm>>
        tpu.enqueue_dma source(%arg11 : memref<8x2048xf32, #tpu.memory_space<vmem>>) target(%dma_start3A_158 : memref<8x2048xf32, #tpu.memory_space<hbm>>) target_semaphore(%arg23 : memref<!tpu.dma_semaphore, #tpu.memory_space<semaphore_mem>>)
      } else {
      }
      %add3A_123 = arith.constant 2 : i32
      %add3A_124 = arith.addi %add3A_110, %add3A_123 : i32
      %lt3A_125 = arith.constant 32 : i32
      %lt3A_126 = arith.cmpi slt, %add3A_124, %lt3A_125 : i32
      %convert_element_type3A_127 = arith.extui %lt3A_126 : i1 to i32
      %cond3A_128 = arith.constant 0 : i32
      %cond3A_129 = arith.cmpi ne, %convert_element_type3A_127, %cond3A_128 : i32
      scf.if %cond3A_129 {
        %dma_wait3A_130 = arith.constant 0 : i32
        %dma_wait3A_131 = tpu.memref_slice %arg7[%dma_wait3A_130] : memref<256xi32, #tpu.memory_space<vmem>> -> memref<8xi32, #tpu.memory_space<vmem>>
        %dma_wait3A_132 = arith.constant 0 : i32
        %dma_wait3A_133 = arith.constant 0 : i32
        %dma_wait3A_134 = tpu.memref_slice %arg4[%dma_wait3A_132, %dma_wait3A_133] : memref<49280x2048xf32, #tpu.memory_space<hbm>> -> memref<49280x2048xf32, #tpu.memory_space<hbm>>
        tpu.wait_indirect_dma semaphore(%arg15 : memref<!tpu.dma_semaphore, #tpu.memory_space<semaphore_mem>>) src(%dma_wait3A_134 : memref<49280x2048xf32, #tpu.memory_space<hbm>>) dst(%arg9 : memref<8x2048xf32, #tpu.memory_space<vmem>>)
        %dma_wait3A_135 = arith.constant 0 : i32
        %dma_wait3A_136 = tpu.memref_slice %arg8[%dma_wait3A_135] : memref<256xi32, #tpu.memory_space<vmem>> -> memref<8xi32, #tpu.memory_space<vmem>>
        %dma_wait3A_137 = arith.constant 0 : i32
        %dma_wait3A_138 = arith.constant 0 : i32
        %dma_wait3A_139 = tpu.memref_slice %arg5[%dma_wait3A_137, %dma_wait3A_138] : memref<2048x2048xf32, #tpu.memory_space<hbm>> -> memref<2048x2048xf32, #tpu.memory_space<hbm>>
        tpu.wait_indirect_dma semaphore(%arg18 : memref<!tpu.dma_semaphore, #tpu.memory_space<semaphore_mem>>) src(%dma_wait3A_139 : memref<2048x2048xf32, #tpu.memory_space<hbm>>) dst(%arg12 : memref<8x2048xf32, #tpu.memory_space<vmem>>)
        %add3A_140 = arith.constant 2 : i32
        %add3A_141 = arith.addi %add3A_124, %add3A_140 : i32
        %lt3A_142 = arith.constant 32 : i32
        %lt3A_143 = arith.cmpi slt, %add3A_141, %lt3A_142 : i32
        %convert_element_type3A_144 = arith.extui %lt3A_143 : i1 to i32
        %cond3A_145 = arith.constant 0 : i32
        %cond3A_146 = arith.cmpi ne, %convert_element_type3A_144, %cond3A_145 : i32
        scf.if %cond3A_146 {
          %dma_wait3A_159 = arith.constant 0 : i32
          %dma_wait3A_160 = tpu.memref_slice %arg6[%select_n3A, %mul3A_34, %dma_wait3A_159] : memref<4x2048x2048xf32, #tpu.memory_space<hbm>> -> memref<1x8x2048xf32, #tpu.memory_space<hbm>>
          %dma_wait3A_161 = tpu.memref_squeeze %dma_wait3A_160 : memref<1x8x2048xf32, #tpu.memory_space<hbm>> -> memref<8x2048xf32, #tpu.memory_space<hbm>>
          %dma_wait3A_162 = arith.constant 0 : i32
          %dma_wait3A_163 = tpu.memref_slice %arg6[%select_n3A, %mul3A_34, %dma_wait3A_162] : memref<4x2048x2048xf32, #tpu.memory_space<hbm>> -> memref<1x8x2048xf32, #tpu.memory_space<hbm>>
          %dma_wait3A_164 = tpu.memref_squeeze %dma_wait3A_163 : memref<1x8x2048xf32, #tpu.memory_space<hbm>> -> memref<8x2048xf32, #tpu.memory_space<hbm>>
          tpu.wait_dma2 semaphore(%arg23 : memref<!tpu.dma_semaphore, #tpu.memory_space<semaphore_mem>>) src(%arg11 : memref<8x2048xf32, #tpu.memory_space<vmem>>) dst(%dma_wait3A_164 : memref<8x2048xf32, #tpu.memory_space<hbm>>)
          %add3A_165 = arith.constant 2 : i32
          %add3A_166 = arith.addi %add3A_124, %add3A_165 : i32
          %mul3A_167 = arith.constant 8 : i32
          %mul3A_168 = arith.muli %add3A_166, %mul3A_167 : i32
          %dma_start3A_169 = tpu.memref_slice %arg7[%mul3A_168] : memref<256xi32, #tpu.memory_space<vmem>> -> memref<8xi32, #tpu.memory_space<vmem>>
          %dma_start3A_170 = arith.constant 0 : i32
          %dma_start3A_171 = arith.constant 0 : i32
          %dma_start3A_172 = tpu.memref_slice %arg4[%dma_start3A_170, %dma_start3A_171] : memref<49280x2048xf32, #tpu.memory_space<hbm>> -> memref<49280x2048xf32, #tpu.memory_space<hbm>>
          tpu.enqueue_indirect_dma source(%dma_start3A_172 : memref<49280x2048xf32, #tpu.memory_space<hbm>>) target(%arg11 : memref<8x2048xf32, #tpu.memory_space<vmem>>) offsets(%dma_start3A_169 : memref<8xi32, #tpu.memory_space<vmem>>) semaphore(%arg17 : memref<!tpu.dma_semaphore, #tpu.memory_space<semaphore_mem>>)
          %dma_start3A_173 = tpu.memref_slice %arg8[%mul3A_168] : memref<256xi32, #tpu.memory_space<vmem>> -> memref<8xi32, #tpu.memory_space<vmem>>
          %dma_start3A_174 = arith.constant 0 : i32
          %dma_start3A_175 = arith.constant 0 : i32
          %dma_start3A_176 = tpu.memref_slice %arg5[%dma_start3A_174, %dma_start3A_175] : memref<2048x2048xf32, #tpu.memory_space<hbm>> -> memref<2048x2048xf32, #tpu.memory_space<hbm>>
          tpu.enqueue_indirect_dma source(%dma_start3A_176 : memref<2048x2048xf32, #tpu.memory_space<hbm>>) target(%arg14 : memref<8x2048xf32, #tpu.memory_space<vmem>>) offsets(%dma_start3A_173 : memref<8xi32, #tpu.memory_space<vmem>>) semaphore(%arg20 : memref<!tpu.dma_semaphore, #tpu.memory_space<semaphore_mem>>)
        } else {
        }
        %parallel_loop3A_147 = arith.constant 0 : i32
        %parallel_loop3A_148 = arith.constant 1024 : i32
        %parallel_loop3A_149 = arith.constant 1 : i32
        scf.for %parallel_loop3A_159 = %parallel_loop3A_147 to %parallel_loop3A_148 step %parallel_loop3A_149  : i32 {
          %parallel_loop3A_160 = arith.constant 128 : i32
          %parallel_loop3A_161 = arith.divsi %parallel_loop3A_159, %parallel_loop3A_160 : i32
          %parallel_loop3A_162 = arith.constant 0 : i32
          %parallel_loop3A_163 = arith.cmpi sgt, %parallel_loop3A_159, %parallel_loop3A_162 : i32
          %parallel_loop3A_164 = arith.extui %parallel_loop3A_163 : i1 to i32
          %parallel_loop3A_165 = arith.constant 0 : i32
          %parallel_loop3A_166 = arith.cmpi slt, %parallel_loop3A_159, %parallel_loop3A_165 : i32
          %parallel_loop3A_167 = arith.extui %parallel_loop3A_166 : i1 to i32
          %parallel_loop3A_168 = arith.subi %parallel_loop3A_164, %parallel_loop3A_167 : i32
          %parallel_loop3A_169 = arith.constant 0 : i32
          %parallel_loop3A_170 = arith.cmpi sgt, %parallel_loop3A_160, %parallel_loop3A_169 : i32
          %parallel_loop3A_171 = arith.extui %parallel_loop3A_170 : i1 to i32
          %parallel_loop3A_172 = arith.constant 0 : i32
          %parallel_loop3A_173 = arith.cmpi slt, %parallel_loop3A_160, %parallel_loop3A_172 : i32
          %parallel_loop3A_174 = arith.extui %parallel_loop3A_173 : i1 to i32
          %parallel_loop3A_175 = arith.subi %parallel_loop3A_171, %parallel_loop3A_174 : i32
          %parallel_loop3A_176 = arith.cmpi ne, %parallel_loop3A_168, %parallel_loop3A_175 : i32
          %parallel_loop3A_177 = arith.remsi %parallel_loop3A_159, %parallel_loop3A_160 : i32
          %parallel_loop3A_178 = arith.constant 0 : i32
          %parallel_loop3A_179 = arith.cmpi ne, %parallel_loop3A_177, %parallel_loop3A_178 : i32
          %parallel_loop3A_180 = arith.andi %parallel_loop3A_176, %parallel_loop3A_179 : i1
          %parallel_loop3A_181 = arith.constant 1 : i32
          %parallel_loop3A_182 = arith.subi %parallel_loop3A_161, %parallel_loop3A_181 : i32
          %parallel_loop3A_183 = arith.select %parallel_loop3A_180, %parallel_loop3A_182, %parallel_loop3A_161 : i32
          %parallel_loop3A_184 = arith.constant 128 : i32
          %parallel_loop3A_185 = arith.constant 0 : i32
          %parallel_loop3A_186 = arith.cmpi eq, %parallel_loop3A_184, %parallel_loop3A_185 : i32
          %parallel_loop3A_187 = arith.constant 1 : i32
          %parallel_loop3A_188 = arith.select %parallel_loop3A_186, %parallel_loop3A_187, %parallel_loop3A_184 : i32
          %parallel_loop3A_189 = arith.remsi %parallel_loop3A_159, %parallel_loop3A_188 : i32
          %parallel_loop3A_190 = arith.constant 0 : i32
          %parallel_loop3A_191 = arith.cmpi ne, %parallel_loop3A_189, %parallel_loop3A_190 : i32
          %parallel_loop3A_192 = arith.constant 0 : i32
          %parallel_loop3A_193 = arith.cmpi slt, %parallel_loop3A_189, %parallel_loop3A_192 : i32
          %parallel_loop3A_194 = arith.constant 0 : i32
          %parallel_loop3A_195 = arith.cmpi slt, %parallel_loop3A_188, %parallel_loop3A_194 : i32
          %parallel_loop3A_196 = arith.xori %parallel_loop3A_193, %parallel_loop3A_195 : i1
          %parallel_loop3A_197 = arith.andi %parallel_loop3A_196, %parallel_loop3A_191 : i1
          %parallel_loop3A_198 = arith.addi %parallel_loop3A_189, %parallel_loop3A_188 : i32
          %parallel_loop3A_199 = arith.select %parallel_loop3A_197, %parallel_loop3A_198, %parallel_loop3A_189 : i32
          %parallel_loop3A_200 = arith.constant 16 : i32
          %parallel_loop3A_201 = arith.muli %parallel_loop3A_199, %parallel_loop3A_200 : i32
          %parallel_loop3A_202 = arith.index_cast %parallel_loop3A_183 : i32 to index
          %parallel_loop3A_203 = arith.index_cast %parallel_loop3A_201 : i32 to index
          %parallel_loop3A_204 = tpu.vector_load %arg12[%parallel_loop3A_202, %parallel_loop3A_203] {strides = array<i32>} : memref<8x2048xf32, #tpu.memory_space<vmem>>, vector<1x16xf32>,
          %parallel_loop3A_205 = vector.shape_cast %parallel_loop3A_204 : vector<1x16xf32> to vector<16xf32>
          %parallel_loop3A_206 = arith.index_cast %parallel_loop3A_183 : i32 to index
          %parallel_loop3A_207 = arith.index_cast %parallel_loop3A_201 : i32 to index
          %parallel_loop3A_208 = tpu.vector_load %arg9[%parallel_loop3A_206, %parallel_loop3A_207] {strides = array<i32>} : memref<8x2048xf32, #tpu.memory_space<vmem>>, vector<1x16xf32>,
          %parallel_loop3A_209 = vector.shape_cast %parallel_loop3A_208 : vector<1x16xf32> to vector<16xf32>
          %parallel_loop3A_210 = vector.shape_cast %parallel_loop3A_205 : vector<16xf32> to vector<1x16xf32>
          tpu.vector_store %arg9[%parallel_loop3A_206, %parallel_loop3A_207], %parallel_loop3A_210 {add = true, strides = array<i32>} : memref<8x2048xf32, #tpu.memory_space<vmem>>, vector<1x16xf32>,
        } {sc.loop_unroll_factor = 16 : i64, sc.parallel_access}
        %mul3A_150 = arith.constant 8 : i32
        %mul3A_151 = arith.muli %add3A_124, %mul3A_150 : i32
        %add3A_152 = arith.addi %mul3A_34, %mul3A_151 : i32
        %dma_start3A_153 = arith.constant 0 : i32
        %dma_start3A_154 = tpu.memref_slice %arg6[%select_n3A, %add3A_152, %dma_start3A_153] : memref<4x2048x2048xf32, #tpu.memory_space<hbm>> -> memref<1x8x2048xf32, #tpu.memory_space<hbm>>
        %dma_start3A_155 = tpu.memref_squeeze %dma_start3A_154 : memref<1x8x2048xf32, #tpu.memory_space<hbm>> -> memref<8x2048xf32, #tpu.memory_space<hbm>>
        %dma_start3A_156 = arith.constant 0 : i32
        %dma_start3A_157 = tpu.memref_slice %arg6[%select_n3A, %add3A_152, %dma_start3A_156] : memref<4x2048x2048xf32, #tpu.memory_space<hbm>> -> memref<1x8x2048xf32, #tpu.memory_space<hbm>>
        %dma_start3A_158 = tpu.memref_squeeze %dma_start3A_157 : memref<1x8x2048xf32, #tpu.memory_space<hbm>> -> memref<8x2048xf32, #tpu.memory_space<hbm>>
        tpu.enqueue_dma source(%arg9 : memref<8x2048xf32, #tpu.memory_space<vmem>>) target(%dma_start3A_158 : memref<8x2048xf32, #tpu.memory_space<hbm>>) target_semaphore(%arg21 : memref<!tpu.dma_semaphore, #tpu.memory_space<semaphore_mem>>)
      } else {
      }
    }
    %scan3A_87 = arith.constant 11 : i32
    %dma_wait3A_88 = arith.constant 0 : i32
    %dma_wait3A_89 = tpu.memref_slice %arg6[%select_n3A, %mul3A_34, %dma_wait3A_88] : memref<4x2048x2048xf32, #tpu.memory_space<hbm>> -> memref<1x8x2048xf32, #tpu.memory_space<hbm>>
    %dma_wait3A_90 = tpu.memref_squeeze %dma_wait3A_89 : memref<1x8x2048xf32, #tpu.memory_space<hbm>> -> memref<8x2048xf32, #tpu.memory_space<hbm>>
    %dma_wait3A_91 = arith.constant 0 : i32
    %dma_wait3A_92 = tpu.memref_slice %arg6[%select_n3A, %mul3A_34, %dma_wait3A_91] : memref<4x2048x2048xf32, #tpu.memory_space<hbm>> -> memref<1x8x2048xf32, #tpu.memory_space<hbm>>
    %dma_wait3A_93 = tpu.memref_squeeze %dma_wait3A_92 : memref<1x8x2048xf32, #tpu.memory_space<hbm>> -> memref<8x2048xf32, #tpu.memory_space<hbm>>
    tpu.wait_dma2 semaphore(%arg21 : memref<!tpu.dma_semaphore, #tpu.memory_space<semaphore_mem>>) src(%arg9 : memref<8x2048xf32, #tpu.memory_space<vmem>>) dst(%dma_wait3A_93 : memref<8x2048xf32, #tpu.memory_space<hbm>>)
    %dma_wait3A_94 = arith.constant 0 : i32
    %dma_wait3A_95 = tpu.memref_slice %arg6[%select_n3A, %mul3A_34, %dma_wait3A_94] : memref<4x2048x2048xf32, #tpu.memory_space<hbm>> -> memref<1x8x2048xf32, #tpu.memory_space<hbm>>
    %dma_wait3A_96 = tpu.memref_squeeze %dma_wait3A_95 : memref<1x8x2048xf32, #tpu.memory_space<hbm>> -> memref<8x2048xf32, #tpu.memory_space<hbm>>
    %dma_wait3A_97 = arith.constant 0 : i32
    %dma_wait3A_98 = tpu.memref_slice %arg6[%select_n3A, %mul3A_34, %dma_wait3A_97] : memref<4x2048x2048xf32, #tpu.memory_space<hbm>> -> memref<1x8x2048xf32, #tpu.memory_space<hbm>>
    %dma_wait3A_99 = tpu.memref_squeeze %dma_wait3A_98 : memref<1x8x2048xf32, #tpu.memory_space<hbm>> -> memref<8x2048xf32, #tpu.memory_space<hbm>>
    tpu.wait_dma2 semaphore(%arg22 : memref<!tpu.dma_semaphore, #tpu.memory_space<semaphore_mem>>) src(%arg10 : memref<8x2048xf32, #tpu.memory_space<vmem>>) dst(%dma_wait3A_99 : memref<8x2048xf32, #tpu.memory_space<hbm>>)
    %dma_wait3A_100 = arith.constant 0 : i32
    %dma_wait3A_101 = tpu.memref_slice %arg6[%select_n3A, %mul3A_34, %dma_wait3A_100] : memref<4x2048x2048xf32, #tpu.memory_space<hbm>> -> memref<1x8x2048xf32, #tpu.memory_space<hbm>>
    %dma_wait3A_102 = tpu.memref_squeeze %dma_wait3A_101 : memref<1x8x2048xf32, #tpu.memory_space<hbm>> -> memref<8x2048xf32, #tpu.memory_space<hbm>>
    %dma_wait3A_103 = arith.constant 0 : i32
    %dma_wait3A_104 = tpu.memref_slice %arg6[%select_n3A, %mul3A_34, %dma_wait3A_103] : memref<4x2048x2048xf32, #tpu.memory_space<hbm>> -> memref<1x8x2048xf32, #tpu.memory_space<hbm>>
    %dma_wait3A_105 = tpu.memref_squeeze %dma_wait3A_104 : memref<1x8x2048xf32, #tpu.memory_space<hbm>> -> memref<8x2048xf32, #tpu.memory_space<hbm>>
    tpu.wait_dma2 semaphore(%arg23 : memref<!tpu.dma_semaphore, #tpu.memory_space<semaphore_mem>>) src(%arg11 : memref<8x2048xf32, #tpu.memory_space<vmem>>) dst(%dma_wait3A_105 : memref<8x2048xf32, #tpu.memory_space<hbm>>)
    return
  }
}

</mosaic_0001>

<sc_bundles>
// kernel: kernel.3.cloned.1.call-start
scs
__scs_entry_jumppad:
0x0: {  	(pc) =	sbr.rel $0x88, $3  }
0x1: {  	(tag) =	ssettag $0x0;
	lr =	simm.s32 $0x1  }
0x2: {  	[smem:$0x3F9D] =	sst lr;
	_ =	strace $0xD0000000  }
0x3: {  	_ = 	snop  }
0x4: {  	_ = 	snop  }
0x5: {  	_ = 	snop  }
0x6: {  	_ = 	snop  }
0x7: {  	_ = 	snop  }
__scs_overlays_trampoline_lowered:
0x8: {  	[smem:$0x3FAC] =	sst s0  }
0x9: {  	[smem:$0x3FAD] =	sst s1  }
0xa: {  	[smem:$0x3FAE] =	sst s2  }
0xb: {  	[smem:$0x3FAF] =	sst s3  }
0xc: {  	[smem:$0x3FB0] =	sst s4  }
0xd: {  	[smem:$0x3FB1] =	sst s5  }
0xe: {  	[smem:$0x3FB2] =	sst s6  }
0xf: {  	[smem:$0x3FB3] =	sst s7  }
0x10: {  	[smem:$0x3FB4] =	sst s8  }
0x11: {  	[smem:$0x3FB5] =	sst s9;
	s0 =	simm.s32 @!p0 $0x0  }
0x12: {  	s1 =	sld [smem:$0x3F9B];
	s0 =	simm.s32 @p0 $0x1  }
0x13: {  	[smem:$0x3FB6] =	sst s0;
	s0 =	simm.s32 @!p1 $0x0  }
0x14: {  	s2 =	sld [smem:$0x3F9A];
	s0 =	simm.s32 @p1 $0x1  }
0x15: {  	[smem:$0x3FB7] =	sst s0;
	s0 =	simm.s32 @!p2 $0x0  }
0x16: {  	s3 =	sld [smem:$0x3FDB];
	s0 =	simm.s32 @p2 $0x1  }
0x17: {  	s4 =	simm.s32 $0x1BF5;
	[smem:$0x3FB9] =	sst s0  }
0x18: {  	s0 =	sld [smem:$0x3F9C];
	_ =	swait.ge [sflag:s4], $0x0  }
0x19: {  	s7 =	sld [smem:$0x3F9D]  }
0x1a: {  	s8 =	sadd.s32 $0xFFFFE003, lr  }
0x1b: {  	s9 =	sadd.s32 $0xFFFFFEF7, lr;
	s5 =	simm.s32 $0xFFFFFFFF;
	p2 =	slt.u32 s8, $0xFFFFF086  }
0x1c: {  	p1 =	slt.u32 s9, $0xF7A;
	s5 =	simm.s32 @!p2 $0x0  }
0x1d: {  	s5 =	simm.s32 @p1 $0x1;
	p0 =	seq.s32 s7, s2  }
0x1e: {  	s7 =	smul.u32 @!p0 $0xF7A, s2;
	p2 =	seq.s32 @!p0 s5, $0x0  }
0x1f: {  	s9 =	smul.u32 $0xF7A, s1;
	s8 =	simm.s32 @!p0 $0x1BF5;
	p2 =	por !p2, p0  }
0x20: {  	[sflag:s8] =	ssyncset.s32 @!p0 $0xFFFFF086;
	s6 =	sadd.s32 @!p0 s3, s7;
	s7 =	simm.s32 @!p0 $0x108  }
0x21: {  	s3 =	sadd.s32 s3, s9;
	s6 =	sadd.s32 @!p0 $0x88, s6;
	s7 =	simm.s32 @p2 $0x1082  }
0x22: {  	[simem:s7], [sflag:s8] =	dma.local @!p0 [hbm:s6], $0xF7A  }
0x23: {  	s9 =	sor.u32 $0xD0000000, s2;
	s6 =	simm.s32 $0x108;
	_ =	swait.ge @!p0 [sflag:s8], $0x0  }
0x24: {  	s3 =	sadd.s32 $0x88, s3;
	s6 =	simm.s32 @!p1 $0x1082;
	[sflag:s4] =	ssyncset.s32 $0xFFFFF086  }
0x25: {  	[simem:s6], [sflag:s4] =	dma.local [hbm:s3], $0xF7A  }
0x26: {  	[smem:$0x3F9D] =	sst s1;
	(tag) =	ssettag s2;
	_ =	strace s9  }
0x27: {  	s1 =	sld [smem:$0x3FAD]  }
0x28: {  	s2 =	sld [smem:$0x3FAE]  }
0x29: {  	s4 =	sld [smem:$0x3FB0]  }
0x2a: {  	p0 =	seq.s32 s5, $0x0;
	s5 =	sld [smem:$0x3FB1]  }
0x2b: {  	s6 =	sld [smem:$0x3FB2]  }
0x2c: {  	s7 =	sld [smem:$0x3FB3]  }
0x2d: {  	s3 =	simm.s32 $0x108;
	s8 =	sld [smem:$0x3FB4]  }
0x2e: {  	s3 =	simm.s32 @!p0 $0x1082;
	s9 =	sld [smem:$0x3FB5]  }
0x2f: {  	lr =	sadd.s32 s0, s3;
	s0 =	sld [smem:$0x3FAC]  }
0x30: {  	s3 =	sld [smem:$0x3FAF]  }
0x31: {  	[smem:$0x3FB8] =	sst s10  }
0x32: {  	s10 =	sld [smem:$0x3FB6];
	_ =	sdelay $0x3  }
0x33: {  	p0 =	seq.s32 s10, $0x1;
	s10 =	sld [smem:$0x3FB8];
	_ =	sdelay $0x3  }
0x34: {  	[smem:$0x3FB8] =	sst s10  }
0x35: {  	s10 =	sld [smem:$0x3FB7];
	_ =	sdelay $0x3  }
0x36: {  	p1 =	seq.s32 s10, $0x1;
	s10 =	sld [smem:$0x3FB8];
	_ =	sdelay $0x3  }
0x37: {  	[smem:$0x3FB8] =	sst s10  }
0x38: {  	s10 =	sld [smem:$0x3FB9]  }
0x39: {  	_ = 	snop;
	(pc) =	sbr.ind lr, $3  }
0x3a: {  	_ = 	snop  }
0x3b: {  	_ = 	snop  }
0x3c: {  	p2 =	seq.s32 s10, $0x1;
	s10 =	sld [smem:$0x3FB8]  }
0x3d: {  	_ =	shalt  }
0x3e: {  	_ =	shalt  }
0x3f: {  	_ =	shalt  }
0x40: {  	_ =	shalt  }
0x41: {  	_ =	shalt  }
0x42: {  	_ =	shalt  }
0x43: {  	_ =	shalt  }
0x44: {  	_ =	shalt  }
0x45: {  	_ =	shalt  }
0x46: {  	_ =	shalt  }
0x47: {  	_ =	shalt  }
0x48: {  	_ =	shalt  }
0x49: {  	_ =	shalt  }
0x4a: {  	_ =	shalt  }
0x4b: {  	_ =	shalt  }
0x4c: {  	_ =	shalt  }
0x4d: {  	_ =	shalt  }
0x4e: {  	_ =	shalt  }
0x4f: {  	_ =	shalt  }
0x50: {  	_ =	shalt  }
0x51: {  	_ =	shalt  }
0x52: {  	_ =	shalt  }
0x53: {  	_ =	shalt  }
0x54: {  	_ =	shalt  }
0x55: {  	_ =	shalt  }
0x56: {  	_ =	shalt  }
0x57: {  	_ =	shalt  }
0x58: {  	_ =	shalt  }
0x59: {  	_ =	shalt  }
0x5a: {  	_ =	shalt  }
0x5b: {  	_ =	shalt  }
0x5c: {  	_ =	shalt  }
0x5d: {  	_ =	shalt  }
0x5e: {  	_ =	shalt  }
0x5f: {  	_ =	shalt  }
0x60: {  	_ =	shalt  }
0x61: {  	_ =	shalt  }
0x62: {  	_ =	shalt  }
0x63: {  	_ =	shalt  }
0x64: {  	_ =	shalt  }
0x65: {  	_ =	shalt  }
0x66: {  	_ =	shalt  }
0x67: {  	_ =	shalt  }
0x68: {  	_ =	shalt  }
0x69: {  	_ =	shalt  }
0x6a: {  	_ =	shalt  }
0x6b: {  	_ =	shalt  }
0x6c: {  	_ =	shalt  }
0x6d: {  	_ =	shalt  }
0x6e: {  	_ =	shalt  }
0x6f: {  	_ =	shalt  }
0x70: {  	_ =	shalt  }
0x71: {  	_ =	shalt  }
0x72: {  	_ =	shalt  }
0x73: {  	_ =	shalt  }
0x74: {  	_ =	shalt  }
0x75: {  	_ =	shalt  }
0x76: {  	_ =	shalt  }
0x77: {  	_ =	shalt  }
0x78: {  	_ =	shalt  }
0x79: {  	_ =	shalt  }
0x7a: {  	_ =	shalt  }
0x7b: {  	_ =	shalt  }
0x7c: {  	_ =	shalt  }
0x7d: {  	_ =	shalt  }
0x7e: {  	_ =	shalt  }
0x7f: {  	_ =	shalt  }
0x80: {  	_ =	shalt  }
0x81: {  	_ =	shalt  }
0x82: {  	_ =	shalt  }
0x83: {  	_ =	shalt  }
0x84: {  	_ =	shalt  }
0x85: {  	_ =	shalt  }
0x86: {  	_ =	shalt  }
0x87: {  	_ =	shalt  }
.Lfunc_end0:
.L_simem_size_0:
called_computation_lowered:
.L_overlay_start_0:
0x88: {  	s2 =	sld [smem:$0x3FD9]  }
0x89: {  	s3 =	sld [smem:$0x3FFE];
	_ =	sdelay $0x1  }
0x8a: {  	s1 =	srdreg.scid  }
0x8b: {  	s0 =	sand.u32 $0x1, s1  }
0x8c: {  	s17 =	sshll.u32 s0, $0xA;
	s2 =	sadd.s32 s3, s2  }
0x8d: {  	s2 =	sadd.s32 s2, s17  }
0x8e: {  	[smem:$0x3FC4] =	sst s2  }
0x8f: {  	_ = 	snop  }
0x90: {  	s2 =	sld [smem:$0x3FC7]  }
0x91: {  	s18 =	sld [smem:$0x3FC6]  }
0x92: {  	s4 =	sld [smem:$0x3FD0];
	(tm) =	ssettm $0x1  }
0x93: {  	s5 =	sld [smem:$0x3FFB];
	_ =	sdelay $0x3  }
0x94: {  	_ =	strace s5  }
0x95: {  	s5 =	sld [smem:$0x3FFC];
	_ =	sdelay $0x3  }
0x96: {  	_ =	strace s5  }
0x97: {  	s5 =	sld [smem:$0x3FFD];
	_ =	sdelay $0x3  }
0x98: {  	_ =	strace s5  }
0x99: {  	_ =	strace $0x8FFFFFFF  }
0x9a: {  	s19 =	sld [smem:$0x3FDB];
	_ =	sdelay $0x1  }
0x9b: {  	s6 =	simm.s32 $_scs_section_size  }
0x9c: {  	s7 =	simm.s32 $_size__tile_overlayer_lowered;
	s8 =	simm.s32 $_tile_overlayer_lowered  }
0x9d: {  	s22 =	simm.s32 $0x1BFF;
	s21 =	sshll.u32 s8, $0x1;
	s5 =	sadd.s32 s6, s19  }
0x9e: {  	s9 =	simm.s32 $0x0;
	s20 =	sshll.u32 s7, $0x1;
	s7 =	sadd.s32 s21, s5  }
0x9f: {  	[timem:s9], [sflag:s22] =	dma.local [hbm:s7], s20  }
0xa0: {  	_ =	swait.ge [sflag:s22], s20  }
0xa1: {  	s6 =	ssub.s32 $0x0, s20;
	[sflag:s22] =	ssyncset.done $0x0  }
0xa2: {  	[sflag:s22] =	ssyncadd.s32 s6;
	_ =	sdelay $0x1  }
0xa3: {  	s23 =	simm.s32 $0x1B8B  }
0xa4: {  	_ =	swait.ge [sflag:s23], $0x1  }
0xa5: {  	[sflag:s23] =	ssyncset.done $0x0  }
0xa6: {  	s25 =	simm.s32 $0x1B8E;
	s24 =	sld [smem:$0x3FFE];
	[sflag:s23] =	ssyncadd.s32 $0xFFFFFFFF  }
0xa7: {  	s26 =	simm.s32 $execute0_lowered;
	[smem:$0x3FD2] =	sst s25  }
0xa8: {  	s7 =	sshll.u32 s26, $0x1;
	_ =	strace $0x80000046;
	[dreg:$0x1] =	wrdreg $0xFFFFFFFF  }
0xa9: {  	s28 =	simm.s32 $_size_execute0_lowered;
	s5 =	sadd.s32 s5, s7;
	[dreg:$0x0] =	wrdreg $0x0  }
0xaa: {  	s7 =	sshll.u32 s28, $0x1;
	[dreg:$0x2] =	wrdreg s5  }
0xab: {  	[dreg:$0x3] =	wrdreg s7  }
0xac: {  	[dreg:$0x4] =	wrdreg $0xC0  }
0xad: {  	_ =	task [dreg:s9], $0x5FFFF  }
0xae: {  	[dreg:$0x1] =	wrdreg $0xFFFFFFFF  }
0xaf: {  	[dreg:$0x0] =	wrdreg $0x60  }
0xb0: {  	[dreg:$0x2] =	wrdreg s24  }
0xb1: {  	[dreg:$0x3] =	wrdreg s2  }
0xb2: {  	[dreg:$0x4] =	wrdreg s18  }
0xb3: {  	[dreg:$0x5] =	wrdreg s4  }
0xb4: {  	[dreg:$0x6] =	wrdreg $0x9  }
0xb5: {  	_ =	task.clear_ibuf [dreg:s9], $0x7FFFF;
	_ =	strace $0x90000046  }
0xb6: {  	s29 =	simm.s32 $0x9;
	_ =	strace $0x80000048  }
0xb7: {  	_ =	swait.ge [sflag:s29], $0x1  }
0xb8: {  	[sflag:s29] =	ssyncadd.s32 $0xFFFFFFFF  }
0xb9: {  	_ =	strace $0x90000048  }
0xba: {  	_ =	sfence  }
0xbb: {  	s30 =	sld [smem:$0x0];
	_ =	sdelay $0x2  }
0xbc: {  	s31 =	sshll.u32 s1, $0xD;
	s1 =	sshrl.u32 s1, $0x2  }
0xbd: {  	s3 =	sand.u32 $0x4000, s31;
	s1 =	sadd.s32 s1, s30  }
0xbe: {  	s0 =	sor.u32 s3, s0;
	s1 =	sshll.u32 s1, $0x11  }
0xbf: {  	s0 =	sor.u32 s1, s0  }
0xc0: {  	s0 =	sadd.s32 $0x8F2B, s0  }
0xc1: {  	[sflag:s0] =	ssyncadd.remote.s32 $0x1  }
0xc2: {  	_ =	sfence.sel $0xFFFF  }
0xc3: {  	[dreg:$0x0] =	wrdreg $0xFFFFFFFF;
	(pc) =	sbr.abs _section_cstart, $3  }
0xc4: {  	[dreg:$0x1] =	wrdreg $0xFFFFFFFF  }
0xc5: {  	_ =	task.clear_ibuf [dreg:s9], $0x2FFFF;
	_ =	strace $0x9FFFFFFF  }
0xc6: {  	(tm) =	ssettm $0x7FFFFFFF  }
0xc7: {  	_ =	shalt  }
tec
execute0_lowered:
.L_overlay_start_1:
0x0: {  	(tag) =	ssettag $0x1  }
0x1: {  	s0 =	rddreg [dreg:$0x0]  }
0x2: {  	s7 =	rddreg [dreg:$0x1]  }
0x3: {  	s21 =	rddreg [dreg:$0x2]  }
0x4: {  	s22 =	rddreg [dreg:$0x3];
	s1 =	srdreg.scid  }
0x5: {  	s3 =	stileid.u32;
	s5 =	simm.s32 $0x0;
	s28 =	simm.s32 $0x1  }
0x6: {  	s31 =	simm.s32 $0x4;
	s1 =	sand.u32 $0x1, s1;
	s2 =	sshll.u32 s3, $0x1  }
0x7: {  	[smem:$0x7FF] =	sst s5;
	s8 =	sadd.s32 $0x100, s7;
	s9 =	sadd.s32 $0x200, s7  }
0x8: {  	s10 =	sadd.s32 $0x300, s7;
	s11 =	sadd.s32 $0x400, s7;
	s12 =	sadd.s32 $0x500, s7  }
0x9: {  	s13 =	sadd.s32 $0x600, s7;
	s14 =	sadd.s32 $0x700, s7;
	s15 =	sadd.s32 $0x100, s21  }
0xa: {  	s25 =	sshll.u32 s3, $0x14;
	s16 =	sadd.s32 $0x200, s21;
	s17 =	sadd.s32 $0x300, s21  }
0xb: {  	s18 =	sadd.s32 $0x400, s21;
	s19 =	sadd.s32 $0x500, s21;
	s20 =	sadd.s32 $0x600, s21  }
0xc: {  	s7 =	simm.s32 $0x8;
	s3 =	simm.s32 $0x0;
	s2 =	sor.u32 s1, s2  }
0xd: {  	s1 =	ssub.s32 $0x2, s1;
	_ =	strace $0x80000047;
	s4 =	sshll.u32 s2, $0x5  }
0xe: {  	s6 =	sshrl.u32 s1, $0x1;
	s2 =	sshll.u32 s2, $0x13;
	s0 =	sadd.s32 s4, s0  }
0xf: {  	s1 =	ssub.s32 s1, s6;
	s4 =	sadd.s32 $0x400, s0;
	s0 =	sadd.s32 $0x800, s0  }
0x10: {  	s2 =	sand.u32 $0x380000, s2;
	[dreg:$0x6] =	wrdreg s0;
	s0 =	sand.u32 $0xC00000, s25  }
0x11: {  	s30 =	smax.u32 s1, $0x1;
	[dreg:$0x5] =	wrdreg s4;
	s0 =	sor.u32 s0, s2  }
.Ltmp0:
0x12: {  	[dreg:$0xb] =	wrdreg s30;
	s26 =	sor.u32 $0x4000, s0;
	(pc) =	sbr.rel .LBB2_1-.Ltmp0, $4  }
0x13: {  	s6 =	simm.s32 $0x5;
	s29 =	sor.u32 $0x8000, s0;
	[dreg:$0x8] =	wrdreg s26  }
0x14: {  	v0 =	vlaneseq.u32;
	s2 =	sshrl.u32 s0, $0x3;
	s0 =	sor.u32 $0xC000, s0;
	[dreg:$0x9] =	wrdreg s29  }
0x15: {  	v1 =	vshrl.u32 v0, $0x3;
	s1 =	simm.s32 $0x2;
	s2 =	sadd.s32 s22, s2;
	[dreg:$0xa] =	wrdreg s0  }
0x16: {  	vm0 =	vmmov $0xffff;
	v0 =	vand.u32 $0x7, v0;
	v1 =	vmul.u32 $0x8, v1;
	s26 =	sadd.s32 $0x700, s21;
	s21 =	simm.s32 $0x4200;
	[dreg:$0x7] =	wrdreg s2  }
.LBB2_12:
0x17: {  	s0 =	simm.s32 $0x7  }
0x18: {  	_ =	swait.ge [sflag:s0], $0x4000  }
0x19: {  	[sflag:s0] =	ssyncset.done $0x0  }
0x1a: {  	[sflag:s0] =	ssyncadd.s32 $0xFFFFC000  }
0x1b: {  	_ =	swait.ge [sflag:s7], $0x4000  }
0x1c: {  	[sflag:s7] =	ssyncset.done $0x0  }
0x1d: {  	s2 =	simm.s32 $0x9;
	[sflag:s7] =	ssyncadd.s32 $0xFFFFC000  }
0x1e: {  	_ =	swait.ge [sflag:s2], $0x4000  }
0x1f: {  	s3 =	rddreg [dreg:$0xc]  }
0x20: {  	s30 =	rddreg [dreg:$0xb];
	s3 =	sadd.s32 $0x1, s3  }
0x21: {  	p0 =	sne.s32 s3, s30  }
.Ltmp1:
0x22: {  	_ = 	snop;
	(pc) =	sbr.rel @!p0 .LBB2_13-.Ltmp1, $3  }
0x23: {  	_ =	sdelay $0x1  }
0x24: {  	[sflag:s2] =	ssyncset.done $0x0  }
0x25: {  	[sflag:s2] =	ssyncadd.s32 $0xFFFFC000  }
.LBB2_1:
0x26: {  	[dreg:$0xc] =	wrdreg s3  }
0x27: {  	s0 =	rddreg [dreg:$0x5];
	s2 =	simm.s32 $0xA  }
0x28: {  	[tilespmem:s5], [sflag:$0xA] =	stream.linear.gather [hbm4b:s0+s5], $0x100, $0x38;
	[tilespmem:$0x18200] =	vst v63  }
0x29: {  	_ =	swait.ge [sflag:s2], $0x100  }
0x2a: {  	[sflag:s2] =	ssyncset.done $0x0  }
0x2b: {  	s22 =	simm.s32 $0x100;
	s4 =	rddreg [dreg:$0x6];
	[sflag:s2] =	ssyncadd.s32 $0xFFFFFF00  }
0x2c: {  	[tilespmem:s22], [sflag:$0xA] =	stream.linear.gather [hbm4b:s4+s5], $0x100, $0x38;
	[tilespmem:$0x18200] =	vst v63  }
0x2d: {  	_ =	swait.ge [sflag:s2], $0x100  }
0x2e: {  	[sflag:s2] =	ssyncset.done $0x0  }
0x2f: {  	[sflag:s2] =	ssyncadd.s32 $0xFFFFFF00  }
0x30: {  	v2 =	vld.msk [tilespmem:$0x0], $0xff;
	_ =	sdelay $0x4  }
0x31: {  	v3 =	vshll.u32 v2, $0x4  }
0x32: {  	v2 =	vand.u32 $0x7, v2;
	v3 =	vand.u32 $0xFFFFFF80, v3  }
0x33: {  	v2 =	vor.u32 v2, v3  }
0x34: {  	v2 =	vperm.xlane v2, v0;
	_ =	sdelay $0x1  }
0x35: {  	v2 =	vadd.s32 v1, v2;
	_ =	sdelay $0x3  }
0x36: {  	s23 =	simm.s32 $0x200;
	s0 =	rddreg [dreg:$0x1]  }
0x37: {  	[tilespmem:s23], [sflag:$0x1] =	stream.indirect_vreg.gather [hbm4b:s0+s5], $0x80, v2, vm0, $0xb8;
	[tilespmem:$0x18200] =	vst v63  }
0x38: {  	s24 =	simm.s32 $0xA00  }
0x39: {  	[tilespmem:s24], [sflag:$0x1] =	stream.indirect_vreg.gather [hbm4b:s8+s5], $0x80, v2, vm0, $0xb8;
	[tilespmem:$0x18200] =	vst v63  }
0x3a: {  	s25 =	simm.s32 $0x1200  }
0x3b: {  	[tilespmem:s25], [sflag:$0x1] =	stream.indirect_vreg.gather [hbm4b:s9+s5], $0x80, v2, vm0, $0xb8;
	[tilespmem:$0x18200] =	vst v63  }
0x3c: {  	s29 =	simm.s32 $0x1A00  }
0x3d: {  	[tilespmem:s29], [sflag:$0x1] =	stream.indirect_vreg.gather [hbm4b:s10+s5], $0x80, v2, vm0, $0xb8;
	[tilespmem:$0x18200] =	vst v63  }
0x3e: {  	s30 =	simm.s32 $0x2200  }
0x3f: {  	[tilespmem:s30], [sflag:$0x1] =	stream.indirect_vreg.gather [hbm4b:s11+s5], $0x80, v2, vm0, $0xb8;
	[tilespmem:$0x18200] =	vst v63  }
0x40: {  	s3 =	simm.s32 $0x2A00  }
0x41: {  	[tilespmem:s3], [sflag:$0x1] =	stream.indirect_vreg.gather [hbm4b:s12+s5], $0x80, v2, vm0, $0xb8;
	[tilespmem:$0x18200] =	vst v63  }
0x42: {  	s4 =	simm.s32 $0x3200  }
0x43: {  	[tilespmem:s4], [sflag:$0x1] =	stream.indirect_vreg.gather [hbm4b:s13+s5], $0x80, v2, vm0, $0xb8;
	[tilespmem:$0x18200] =	vst v63  }
0x44: {  	s22 =	simm.s32 $0x3A00  }
0x45: {  	[tilespmem:s22], [sflag:$0x1] =	stream.indirect_vreg.gather [hbm4b:s14+s5], $0x80, v2, vm0, $0xb8;
	[tilespmem:$0x18200] =	vst v63  }
0x46: {  	v2 =	vld.msk [tilespmem:$0x100], $0xff;
	_ =	sdelay $0x4  }
0x47: {  	v3 =	vshll.u32 v2, $0x4  }
0x48: {  	v2 =	vand.u32 $0x7, v2;
	v3 =	vand.u32 $0xFFFFFF80, v3  }
0x49: {  	v2 =	vor.u32 v2, v3  }
0x4a: {  	v2 =	vperm.xlane v2, v0;
	_ =	sdelay $0x1  }
0x4b: {  	v2 =	vadd.s32 v1, v2;
	_ =	sdelay $0x3  }
0x4c: {  	s2 =	rddreg [dreg:$0x2];
	s23 =	simm.s32 $0xC200  }
0x4d: {  	[tilespmem:s23], [sflag:$0x4] =	stream.indirect_vreg.gather [hbm4b:s2+s5], $0x80, v2, vm0, $0xb8;
	[tilespmem:$0x18200] =	vst v63  }
0x4e: {  	s24 =	simm.s32 $0xCA00  }
0x4f: {  	[tilespmem:s24], [sflag:$0x4] =	stream.indirect_vreg.gather [hbm4b:s15+s5], $0x80, v2, vm0, $0xb8;
	[tilespmem:$0x18200] =	vst v63  }
0x50: {  	s25 =	simm.s32 $0xD200  }
0x51: {  	[tilespmem:s25], [sflag:$0x4] =	stream.indirect_vreg.gather [hbm4b:s16+s5], $0x80, v2, vm0, $0xb8;
	[tilespmem:$0x18200] =	vst v63  }
0x52: {  	s29 =	simm.s32 $0xDA00  }
0x53: {  	[tilespmem:s29], [sflag:$0x4] =	stream.indirect_vreg.gather [hbm4b:s17+s5], $0x80, v2, vm0, $0xb8;
	[tilespmem:$0x18200] =	vst v63  }
0x54: {  	s30 =	simm.s32 $0xE200  }
0x55: {  	[tilespmem:s30], [sflag:$0x4] =	stream.indirect_vreg.gather [hbm4b:s18+s5], $0x80, v2, vm0, $0xb8;
	[tilespmem:$0x18200] =	vst v63  }
0x56: {  	s4 =	simm.s32 $0xEA00  }
0x57: {  	[tilespmem:s4], [sflag:$0x4] =	stream.indirect_vreg.gather [hbm4b:s19+s5], $0x80, v2, vm0, $0xb8;
	[tilespmem:$0x18200] =	vst v63  }
0x58: {  	s22 =	simm.s32 $0xF200  }
0x59: {  	[tilespmem:s22], [sflag:$0x4] =	stream.indirect_vreg.gather [hbm4b:s20+s5], $0x80, v2, vm0, $0xb8;
	[tilespmem:$0x18200] =	vst v63  }
0x5a: {  	s23 =	simm.s32 $0xFA00  }
0x5b: {  	[tilespmem:s23], [sflag:$0x4] =	stream.indirect_vreg.gather [hbm4b:s26+s5], $0x80, v2, vm0, $0xb8;
	[tilespmem:$0x18200] =	vst v63  }
0x5c: {  	v2 =	vld.msk [tilespmem:$0x8], $0xff;
	_ =	sdelay $0x4  }
0x5d: {  	v3 =	vshll.u32 v2, $0x4  }
0x5e: {  	v2 =	vand.u32 $0x7, v2;
	v3 =	vand.u32 $0xFFFFFF80, v3  }
0x5f: {  	v2 =	vor.u32 v2, v3  }
0x60: {  	v2 =	vperm.xlane v2, v0;
	_ =	sdelay $0x1  }
0x61: {  	v2 =	vadd.s32 v1, v2;
	_ =	sdelay $0x4  }
0x62: {  	[tilespmem:s21], [sflag:$0x2] =	stream.indirect_vreg.gather [hbm4b:s0+s5], $0x80, v2, vm0, $0xb8;
	[tilespmem:$0x18200] =	vst v63  }
0x63: {  	s24 =	simm.s32 $0x4A00  }
0x64: {  	[tilespmem:s24], [sflag:$0x2] =	stream.indirect_vreg.gather [hbm4b:s8+s5], $0x80, v2, vm0, $0xb8;
	[tilespmem:$0x18200] =	vst v63  }
0x65: {  	s25 =	simm.s32 $0x5200  }
0x66: {  	[tilespmem:s25], [sflag:$0x2] =	stream.indirect_vreg.gather [hbm4b:s9+s5], $0x80, v2, vm0, $0xb8;
	[tilespmem:$0x18200] =	vst v63  }
0x67: {  	s29 =	simm.s32 $0x5A00  }
0x68: {  	[tilespmem:s29], [sflag:$0x2] =	stream.indirect_vreg.gather [hbm4b:s10+s5], $0x80, v2, vm0, $0xb8;
	[tilespmem:$0x18200] =	vst v63  }
0x69: {  	s30 =	simm.s32 $0x6200  }
0x6a: {  	[tilespmem:s30], [sflag:$0x2] =	stream.indirect_vreg.gather [hbm4b:s11+s5], $0x80, v2, vm0, $0xb8;
	[tilespmem:$0x18200] =	vst v63  }
0x6b: {  	s4 =	simm.s32 $0x6A00  }
0x6c: {  	[tilespmem:s4], [sflag:$0x2] =	stream.indirect_vreg.gather [hbm4b:s12+s5], $0x80, v2, vm0, $0xb8;
	[tilespmem:$0x18200] =	vst v63  }
0x6d: {  	s22 =	simm.s32 $0x7200  }
0x6e: {  	[tilespmem:s22], [sflag:$0x2] =	stream.indirect_vreg.gather [hbm4b:s13+s5], $0x80, v2, vm0, $0xb8;
	[tilespmem:$0x18200] =	vst v63  }
0x6f: {  	s23 =	simm.s32 $0x7A00  }
0x70: {  	[tilespmem:s23], [sflag:$0x2] =	stream.indirect_vreg.gather [hbm4b:s14+s5], $0x80, v2, vm0, $0xb8;
	[tilespmem:$0x18200] =	vst v63  }
0x71: {  	v2 =	vld.msk [tilespmem:$0x108], $0xff;
	_ =	sdelay $0x4  }
0x72: {  	v3 =	vshll.u32 v2, $0x4  }
0x73: {  	v2 =	vand.u32 $0x7, v2;
	v3 =	vand.u32 $0xFFFFFF80, v3  }
0x74: {  	v2 =	vor.u32 v2, v3  }
0x75: {  	v2 =	vperm.xlane v2, v0;
	_ =	sdelay $0x1  }
0x76: {  	v2 =	vadd.s32 v1, v2;
	_ =	sdelay $0x3  }
0x77: {  	s24 =	simm.s32 $0x10200  }
0x78: {  	[tilespmem:s24], [sflag:$0x5] =	stream.indirect_vreg.gather [hbm4b:s2+s5], $0x80, v2, vm0, $0xb8;
	[tilespmem:$0x18200] =	vst v63  }
0x79: {  	s25 =	simm.s32 $0x10A00  }
0x7a: {  	[tilespmem:s25], [sflag:$0x5] =	stream.indirect_vreg.gather [hbm4b:s15+s5], $0x80, v2, vm0, $0xb8;
	[tilespmem:$0x18200] =	vst v63  }
0x7b: {  	s29 =	simm.s32 $0x11200  }
0x7c: {  	[tilespmem:s29], [sflag:$0x5] =	stream.indirect_vreg.gather [hbm4b:s16+s5], $0x80, v2, vm0, $0xb8;
	[tilespmem:$0x18200] =	vst v63  }
0x7d: {  	s30 =	simm.s32 $0x11A00  }
0x7e: {  	[tilespmem:s30], [sflag:$0x5] =	stream.indirect_vreg.gather [hbm4b:s17+s5], $0x80, v2, vm0, $0xb8;
	[tilespmem:$0x18200] =	vst v63  }
0x7f: {  	s4 =	simm.s32 $0x12200  }
0x80: {  	[tilespmem:s4], [sflag:$0x5] =	stream.indirect_vreg.gather [hbm4b:s18+s5], $0x80, v2, vm0, $0xb8;
	[tilespmem:$0x18200] =	vst v63  }
0x81: {  	s22 =	simm.s32 $0x12A00  }
0x82: {  	[tilespmem:s22], [sflag:$0x5] =	stream.indirect_vreg.gather [hbm4b:s19+s5], $0x80, v2, vm0, $0xb8;
	[tilespmem:$0x18200] =	vst v63  }
0x83: {  	s23 =	simm.s32 $0x13200  }
0x84: {  	[tilespmem:s23], [sflag:$0x5] =	stream.indirect_vreg.gather [hbm4b:s20+s5], $0x80, v2, vm0, $0xb8;
	[tilespmem:$0x18200] =	vst v63  }
0x85: {  	s24 =	simm.s32 $0x13A00  }
0x86: {  	[tilespmem:s24], [sflag:$0x5] =	stream.indirect_vreg.gather [hbm4b:s26+s5], $0x80, v2, vm0, $0xb8;
	[tilespmem:$0x18200] =	vst v63  }
0x87: {  	_ =	swait.ge [sflag:s28], $0x4000  }
0x88: {  	[sflag:s28] =	ssyncset.done $0x0  }
0x89: {  	[sflag:s28] =	ssyncadd.s32 $0xFFFFC000  }
0x8a: {  	_ =	swait.ge [sflag:s31], $0x4000  }
0x8b: {  	[sflag:s31] =	ssyncset.done $0x0  }
0x8c: {  	[sflag:s31] =	ssyncadd.s32 $0xFFFFC000  }
0x8d: {  	v2 =	vld.msk [tilespmem:$0x10], $0xff;
	_ =	sdelay $0x4  }
0x8e: {  	v3 =	vshll.u32 v2, $0x4  }
0x8f: {  	v2 =	vand.u32 $0x7, v2;
	v3 =	vand.u32 $0xFFFFFF80, v3  }
0x90: {  	v2 =	vor.u32 v2, v3  }
0x91: {  	v2 =	vperm.xlane v2, v0;
	_ =	sdelay $0x1  }
0x92: {  	v2 =	vadd.s32 v1, v2;
	_ =	sdelay $0x3  }
0x93: {  	s25 =	simm.s32 $0x8200  }
0x94: {  	[tilespmem:s25], [sflag:$0x3] =	stream.indirect_vreg.gather [hbm4b:s0+s5], $0x80, v2, vm0, $0xb8;
	[tilespmem:$0x18200] =	vst v63  }
0x95: {  	s29 =	simm.s32 $0x8A00  }
0x96: {  	[tilespmem:s29], [sflag:$0x3] =	stream.indirect_vreg.gather [hbm4b:s8+s5], $0x80, v2, vm0, $0xb8;
	[tilespmem:$0x18200] =	vst v63  }
0x97: {  	s30 =	simm.s32 $0x9200  }
0x98: {  	[tilespmem:s30], [sflag:$0x3] =	stream.indirect_vreg.gather [hbm4b:s9+s5], $0x80, v2, vm0, $0xb8;
	[tilespmem:$0x18200] =	vst v63  }
0x99: {  	s3 =	simm.s32 $0x9A00  }
0x9a: {  	[tilespmem:s3], [sflag:$0x3] =	stream.indirect_vreg.gather [hbm4b:s10+s5], $0x80, v2, vm0, $0xb8;
	[tilespmem:$0x18200] =	vst v63  }
0x9b: {  	s4 =	simm.s32 $0xA200  }
0x9c: {  	[tilespmem:s4], [sflag:$0x3] =	stream.indirect_vreg.gather [hbm4b:s11+s5], $0x80, v2, vm0, $0xb8;
	[tilespmem:$0x18200] =	vst v63  }
0x9d: {  	s22 =	simm.s32 $0xAA00  }
0x9e: {  	[tilespmem:s22], [sflag:$0x3] =	stream.indirect_vreg.gather [hbm4b:s12+s5], $0x80, v2, vm0, $0xb8;
	[tilespmem:$0x18200] =	vst v63  }
0x9f: {  	s23 =	simm.s32 $0xB200  }
0xa0: {  	[tilespmem:s23], [sflag:$0x3] =	stream.indirect_vreg.gather [hbm4b:s13+s5], $0x80, v2, vm0, $0xb8;
	[tilespmem:$0x18200] =	vst v63  }
0xa1: {  	s24 =	simm.s32 $0xBA00  }
0xa2: {  	[tilespmem:s24], [sflag:$0x3] =	stream.indirect_vreg.gather [hbm4b:s14+s5], $0x80, v2, vm0, $0xb8;
	[tilespmem:$0x18200] =	vst v63  }
0xa3: {  	v2 =	vld.msk [tilespmem:$0x110], $0xff;
	_ =	sdelay $0x4  }
0xa4: {  	v3 =	vshll.u32 v2, $0x4  }
0xa5: {  	v2 =	vand.u32 $0x7, v2;
	v3 =	vand.u32 $0xFFFFFF80, v3  }
0xa6: {  	v2 =	vor.u32 v2, v3  }
0xa7: {  	v2 =	vperm.xlane v2, v0;
	_ =	sdelay $0x1  }
0xa8: {  	v2 =	vadd.s32 v1, v2;
	_ =	sdelay $0x3  }
0xa9: {  	s25 =	simm.s32 $0x14200  }
0xaa: {  	[tilespmem:s25], [sflag:$0x6] =	stream.indirect_vreg.gather [hbm4b:s2+s5], $0x80, v2, vm0, $0xb8;
	[tilespmem:$0x18200] =	vst v63  }
0xab: {  	s29 =	simm.s32 $0x14A00  }
0xac: {  	[tilespmem:s29], [sflag:$0x6] =	stream.indirect_vreg.gather [hbm4b:s15+s5], $0x80, v2, vm0, $0xb8;
	[tilespmem:$0x18200] =	vst v63  }
0xad: {  	s30 =	simm.s32 $0x15200  }
0xae: {  	[tilespmem:s30], [sflag:$0x6] =	stream.indirect_vreg.gather [hbm4b:s16+s5], $0x80, v2, vm0, $0xb8;
	[tilespmem:$0x18200] =	vst v63  }
0xaf: {  	s2 =	simm.s32 $0x15A00  }
0xb0: {  	[tilespmem:s2], [sflag:$0x6] =	stream.indirect_vreg.gather [hbm4b:s17+s5], $0x80, v2, vm0, $0xb8;
	[tilespmem:$0x18200] =	vst v63  }
0xb1: {  	s3 =	simm.s32 $0x16200  }
0xb2: {  	[tilespmem:s3], [sflag:$0x6] =	stream.indirect_vreg.gather [hbm4b:s18+s5], $0x80, v2, vm0, $0xb8;
	[tilespmem:$0x18200] =	vst v63  }
0xb3: {  	s4 =	simm.s32 $0x16A00;
	s22 =	simm.s32 $0x17200;
	s24 =	sand.u32 $0x7, s5  }
0xb4: {  	[tilespmem:s4], [sflag:$0x6] =	stream.indirect_vreg.gather [hbm4b:s19+s5], $0x80, v2, vm0, $0xb8;
	[tilespmem:$0x18200] =	vst v63  }
0xb5: {  	s25 =	sshll.u32 s24, $0xB;
	s29 =	sand.u32 $0x380, s5;
	s4 =	sand.u32 $0x3800, s5  }
0xb6: {  	[tilespmem:s22], [sflag:$0x6] =	stream.indirect_vreg.gather [hbm4b:s20+s5], $0x80, v2, vm0, $0xb8;
	[tilespmem:$0x18200] =	vst v63  }
0xb7: {  	s23 =	simm.s32 $0x17A00;
	s2 =	sadd.s32 $0x0, s25;
	s0 =	sor.u32 s29, s4  }
0xb8: {  	[tilespmem:s23], [sflag:$0x6] =	stream.indirect_vreg.gather [hbm4b:s26+s5], $0x80, v2, vm0, $0xb8;
	[tilespmem:$0x18200] =	vst v63  }
0xb9: {  	s30 =	sor.u32 $0x470, s2;
	v2 =	vld [tilespmem:s0+$0xC660]  }
0xba: {  	s2 =	sor.u32 $0x70, s2;
	v3 =	vld [tilespmem:s30+$0xC200]  }
0xbb: {  	v4 =	vld [tilespmem:s2+$0xC200]  }
0xbc: {  	v5 =	vld [tilespmem:s0+$0xC200]  }
0xbd: {  	v6 =	vld [tilespmem:s0+$0xC210]  }
0xbe: {  	v7 =	vld [tilespmem:s0+$0xC220]  }
0xbf: {  	v8 =	vld [tilespmem:s0+$0xC230]  }
0xc0: {  	v9 =	vld [tilespmem:s0+$0xC240]  }
0xc1: {  	v10 =	vld [tilespmem:s0+$0xC250]  }
0xc2: {  	v11 =	vld [tilespmem:s0+$0xC260]  }
0xc3: {  	v12 =	vld [tilespmem:s0+$0xC600]  }
0xc4: {  	v13 =	vld [tilespmem:s0+$0xC610]  }
0xc5: {  	v14 =	vld [tilespmem:s0+$0xC620]  }
0xc6: {  	[tilespmem:s0+$0x660] =	vst.add.f32.msk $0xffff, v2  }
0xc7: {  	[tilespmem:s30+$0x200] =	vst.add.f32.msk $0xffff, v3  }
0xc8: {  	[tilespmem:s2+$0x200] =	vst.add.f32.msk $0xffff, v4  }
0xc9: {  	v4 =	vld [tilespmem:s0+$0xC630]  }
0xca: {  	v3 =	vld [tilespmem:s0+$0xC640]  }
0xcb: {  	v2 =	vld [tilespmem:s0+$0xC650]  }
0xcc: {  	[tilespmem:s0+$0x200] =	vst.add.f32.msk $0xffff, v5  }
0xcd: {  	[tilespmem:s0+$0x210] =	vst.add.f32.msk $0xffff, v6  }
0xce: {  	[tilespmem:s0+$0x220] =	vst.add.f32.msk $0xffff, v7  }
0xcf: {  	[tilespmem:s0+$0x230] =	vst.add.f32.msk $0xffff, v8  }
0xd0: {  	[tilespmem:s0+$0x240] =	vst.add.f32.msk $0xffff, v9  }
0xd1: {  	[tilespmem:s0+$0x250] =	vst.add.f32.msk $0xffff, v10  }
0xd2: {  	[tilespmem:s0+$0x260] =	vst.add.f32.msk $0xffff, v11  }
0xd3: {  	[tilespmem:s0+$0x600] =	vst.add.f32.msk $0xffff, v12  }
0xd4: {  	[tilespmem:s0+$0x610] =	vst.add.f32.msk $0xffff, v13  }
0xd5: {  	s4 =	simm.s32 $0x0;
	s22 =	simm.s32 $0x10;
	s23 =	simm.s32 $0x1;
	[tilespmem:s0+$0x620] =	vst.add.f32.msk $0xffff, v14  }
.LBB2_2:
0xd6: {  	s2 =	sand.u32 $0x7, s23;
	p0 =	slt.u32 s22, $0x3F0;
	[tilespmem:s0+$0x630] =	vst.add.f32.msk $0xffff, v4;
	s4 =	sadd.s32 $0x800, s4  }
0xd7: {  	s24 =	sand.u32 $0x380, s22;
	s2 =	sshll.u32 s2, $0xB;
	s29 =	sand.u32 $0x3800, s4;
	[tilespmem:s0+$0x640] =	vst.add.f32.msk $0xffff, v3  }
0xd8: {  	s2 =	sadd.s32 s2, s22;
	[tilespmem:s0+$0x650] =	vst.add.f32.msk $0xffff, v2;
	s0 =	sor.u32 s24, s29  }
0xd9: {  	s24 =	sor.u32 $0x70, s2;
	v2 =	vld [tilespmem:s0+$0xC660];
	s2 =	sor.u32 $0x470, s2  }
0xda: {  	v3 =	vld [tilespmem:s2+$0xC200]  }
0xdb: {  	v4 =	vld [tilespmem:s24+$0xC200]  }
0xdc: {  	v5 =	vld [tilespmem:s0+$0xC200]  }
0xdd: {  	v6 =	vld [tilespmem:s0+$0xC210]  }
0xde: {  	[tilespmem:s0+$0x660] =	vst.add.f32.msk $0xffff, v2  }
0xdf: {  	[tilespmem:s2+$0x200] =	vst.add.f32.msk $0xffff, v3  }
0xe0: {  	[tilespmem:s24+$0x200] =	vst.add.f32.msk $0xffff, v4  }
0xe1: {  	v7 =	vld [tilespmem:s0+$0xC220]  }
0xe2: {  	v8 =	vld [tilespmem:s0+$0xC230]  }
0xe3: {  	v9 =	vld [tilespmem:s0+$0xC240]  }
0xe4: {  	v10 =	vld [tilespmem:s0+$0xC250]  }
0xe5: {  	v11 =	vld [tilespmem:s0+$0xC260]  }
0xe6: {  	v12 =	vld [tilespmem:s0+$0xC600]  }
0xe7: {  	v13 =	vld [tilespmem:s0+$0xC610]  }
0xe8: {  	v14 =	vld [tilespmem:s0+$0xC620]  }
0xe9: {  	v4 =	vld [tilespmem:s0+$0xC630]  }
0xea: {  	v3 =	vld [tilespmem:s0+$0xC640]  }
0xeb: {  	v2 =	vld [tilespmem:s0+$0xC650]  }
0xec: {  	[tilespmem:s0+$0x200] =	vst.add.f32.msk $0xffff, v5  }
0xed: {  	[tilespmem:s0+$0x210] =	vst.add.f32.msk $0xffff, v6  }
0xee: {  	[tilespmem:s0+$0x220] =	vst.add.f32.msk $0xffff, v7  }
0xef: {  	[tilespmem:s0+$0x230] =	vst.add.f32.msk $0xffff, v8  }
0xf0: {  	[tilespmem:s0+$0x240] =	vst.add.f32.msk $0xffff, v9  }
.Ltmp2:
0xf1: {  	[tilespmem:s0+$0x250] =	vst.add.f32.msk $0xffff, v10;
	(pc) =	sbr.rel @p0 .LBB2_2-.Ltmp2, $4  }
0xf2: {  	[tilespmem:s0+$0x260] =	vst.add.f32.msk $0xffff, v11  }
0xf3: {  	[tilespmem:s0+$0x600] =	vst.add.f32.msk $0xffff, v12  }
0xf4: {  	[tilespmem:s0+$0x610] =	vst.add.f32.msk $0xffff, v13  }
0xf5: {  	s23 =	sadd.s32 $0x1, s23;
	s22 =	sadd.s32 $0x10, s22;
	[tilespmem:s0+$0x620] =	vst.add.f32.msk $0xffff, v14  }
0xf6: {  	[tilespmem:s0+$0x630] =	vst.add.f32.msk $0xffff, v4  }
0xf7: {  	[tilespmem:s0+$0x640] =	vst.add.f32.msk $0xffff, v3  }
0xf8: {  	[tilespmem:s0+$0x650] =	vst.add.f32.msk $0xffff, v2;
	s0 =	simm.s32 $0x0  }
0xf9: {  	s3 =	simm.s32 $0x200;
	s30 =	simm.s32 $0x0;
	s2 =	rddreg [dreg:$0x7]  }
0xfa: {  	[hbm4b:s2+s0] =	stream.linear.scatter [tilespmem:s3], [sflag:$0x7], $0x4000, $0x38;
	[tilespmem:$0x18200] =	vst v63  }
.LBB2_4:
0xfb: {  	_ =	swait.ge [sflag:s1], $0x4000  }
0xfc: {  	[sflag:s1] =	ssyncset.done $0x0  }
0xfd: {  	[sflag:s1] =	ssyncadd.s32 $0xFFFFC000  }
0xfe: {  	_ =	swait.ge [sflag:s6], $0x4000  }
0xff: {  	p0 =	seq.s32 s30, $0xA;
	[sflag:s6] =	ssyncset.done $0x0  }
0x100: {  	s2 =	simm.s32 @!p0 $0x7;
	[sflag:s6] =	ssyncadd.s32 $0xFFFFC000  }
0x101: {  	_ =	swait.ge @!p0 [sflag:s2], $0x4000  }
0x102: {  	s4 =	smul.u32 @!p0 $0x18, s30;
	[sflag:s2] =	ssyncset.done @!p0 $0x0  }
0x103: {  	[sflag:s2] =	ssyncadd.s32 @!p0 $0xFFFFC000  }
0x104: {  	v2 =	vld.msk @!p0 [tilespmem:s4+$0x18], $0xff;
	_ =	sdelay $0x4  }
0x105: {  	v3 =	vshll.u32 @!p0 v2, $0x4  }
0x106: {  	v4 =	vlaneseq.u32 @!p0;
	v2 =	vand.u32 @!p0 $0x7, v2;
	v3 =	vand.u32 @!p0 $0xFFFFFF80, v3  }
0x107: {  	v2 =	vor.u32 @!p0 v2, v3;
	v3 =	vand.u32 @!p0 $0x7, v4;
	v4 =	vshrl.u32 @!p0 v4, $0x3  }
0x108: {  	v2 =	vperm.xlane @!p0 v2, v3;
	v4 =	vmul.u32 @!p0 $0x8, v4;
	_ =	sdelay $0x1  }
0x109: {  	v2 =	vadd.s32 @!p0 v4, v2;
	_ =	sdelay $0x3  }
0x10a: {  	vm1 =	vmmov @!p0 $0xffff;
	s22 =	simm.s32 @!p0 $0x200;
	s2 =	simm.s32 @!p0 $0x0;
	s3 =	rddreg [dreg:$0x1]  }
0x10b: {  	[tilespmem:s22], [sflag:$0x1] =	stream.indirect_vreg.gather @!p0 [hbm4b:s3+s2], $0x80, v2, vm1, $0xb8;
	[tilespmem:$0x18200] =	vst v63  }
0x10c: {  	s22 =	simm.s32 @!p0 $0xA00  }
0x10d: {  	[tilespmem:s22], [sflag:$0x1] =	stream.indirect_vreg.gather @!p0 [hbm4b:s8+s2], $0x80, v2, vm1, $0xb8;
	[tilespmem:$0x18200] =	vst v63  }
0x10e: {  	s22 =	simm.s32 @!p0 $0x1200  }
0x10f: {  	[tilespmem:s22], [sflag:$0x1] =	stream.indirect_vreg.gather @!p0 [hbm4b:s9+s2], $0x80, v2, vm1, $0xb8;
	[tilespmem:$0x18200] =	vst v63  }
0x110: {  	s22 =	simm.s32 @!p0 $0x1A00  }
0x111: {  	[tilespmem:s22], [sflag:$0x1] =	stream.indirect_vreg.gather @!p0 [hbm4b:s10+s2], $0x80, v2, vm1, $0xb8;
	[tilespmem:$0x18200] =	vst v63  }
0x112: {  	s22 =	simm.s32 @!p0 $0x2200  }
0x113: {  	[tilespmem:s22], [sflag:$0x1] =	stream.indirect_vreg.gather @!p0 [hbm4b:s11+s2], $0x80, v2, vm1, $0xb8;
	[tilespmem:$0x18200] =	vst v63  }
0x114: {  	s22 =	simm.s32 @!p0 $0x2A00  }
0x115: {  	[tilespmem:s22], [sflag:$0x1] =	stream.indirect_vreg.gather @!p0 [hbm4b:s12+s2], $0x80, v2, vm1, $0xb8;
	[tilespmem:$0x18200] =	vst v63  }
0x116: {  	s22 =	simm.s32 @!p0 $0x3200  }
0x117: {  	[tilespmem:s22], [sflag:$0x1] =	stream.indirect_vreg.gather @!p0 [hbm4b:s13+s2], $0x80, v2, vm1, $0xb8;
	[tilespmem:$0x18200] =	vst v63  }
0x118: {  	s22 =	simm.s32 @!p0 $0x3A00  }
0x119: {  	[tilespmem:s22], [sflag:$0x1] =	stream.indirect_vreg.gather @!p0 [hbm4b:s14+s2], $0x80, v2, vm1, $0xb8;
	[tilespmem:$0x18200] =	vst v63  }
0x11a: {  	v2 =	vld.msk @!p0 [tilespmem:s4+$0x118], $0xff;
	_ =	sdelay $0x4  }
0x11b: {  	v5 =	vshll.u32 @!p0 v2, $0x4  }
0x11c: {  	v2 =	vand.u32 @!p0 $0x7, v2;
	v5 =	vand.u32 @!p0 $0xFFFFFF80, v5  }
0x11d: {  	v2 =	vor.u32 @!p0 v2, v5  }
0x11e: {  	v2 =	vperm.xlane @!p0 v2, v3;
	_ =	sdelay $0x1  }
0x11f: {  	v2 =	vadd.s32 @!p0 v4, v2;
	_ =	sdelay $0x3  }
0x120: {  	s3 =	rddreg [dreg:$0x2];
	s4 =	simm.s32 @!p0 $0xC200  }
0x121: {  	[tilespmem:s4], [sflag:$0x4] =	stream.indirect_vreg.gather @!p0 [hbm4b:s3+s2], $0x80, v2, vm1, $0xb8;
	[tilespmem:$0x18200] =	vst v63  }
0x122: {  	s4 =	simm.s32 @!p0 $0xCA00  }
0x123: {  	[tilespmem:s4], [sflag:$0x4] =	stream.indirect_vreg.gather @!p0 [hbm4b:s15+s2], $0x80, v2, vm1, $0xb8;
	[tilespmem:$0x18200] =	vst v63  }
0x124: {  	s4 =	simm.s32 @!p0 $0xD200  }
0x125: {  	[tilespmem:s4], [sflag:$0x4] =	stream.indirect_vreg.gather @!p0 [hbm4b:s16+s2], $0x80, v2, vm1, $0xb8;
	[tilespmem:$0x18200] =	vst v63  }
0x126: {  	s4 =	simm.s32 @!p0 $0xDA00  }
0x127: {  	[tilespmem:s4], [sflag:$0x4] =	stream.indirect_vreg.gather @!p0 [hbm4b:s17+s2], $0x80, v2, vm1, $0xb8;
	[tilespmem:$0x18200] =	vst v63  }
0x128: {  	s4 =	simm.s32 @!p0 $0xE200  }
0x129: {  	[tilespmem:s4], [sflag:$0x4] =	stream.indirect_vreg.gather @!p0 [hbm4b:s18+s2], $0x80, v2, vm1, $0xb8;
	[tilespmem:$0x18200] =	vst v63  }
0x12a: {  	s4 =	simm.s32 @!p0 $0xEA00  }
0x12b: {  	[tilespmem:s4], [sflag:$0x4] =	stream.indirect_vreg.gather @!p0 [hbm4b:s19+s2], $0x80, v2, vm1, $0xb8;
	[tilespmem:$0x18200] =	vst v63  }
0x12c: {  	s24 =	sand.u32 $0x380, s0;
	s25 =	sand.u32 $0x3800, s0;
	s4 =	simm.s32 @!p0 $0xF200  }
0x12d: {  	[tilespmem:s4], [sflag:$0x4] =	stream.indirect_vreg.gather @!p0 [hbm4b:s20+s2], $0x80, v2, vm1, $0xb8;
	[tilespmem:$0x18200] =	vst v63  }
0x12e: {  	s22 =	sor.u32 s24, s25;
	s4 =	simm.s32 @!p0 $0xFA00  }
0x12f: {  	[tilespmem:s4], [sflag:$0x4] =	stream.indirect_vreg.gather @!p0 [hbm4b:s26+s2], $0x80, v2, vm1, $0xb8;
	[tilespmem:$0x18200] =	vst v63  }
0x130: {  	v2 =	vld [tilespmem:s22+$0x10660]  }
0x131: {  	v5 =	vld [tilespmem:s22+$0x10200]  }
0x132: {  	v6 =	vld [tilespmem:s22+$0x10210]  }
0x133: {  	v7 =	vld [tilespmem:s22+$0x10220]  }
0x134: {  	v8 =	vld [tilespmem:s22+$0x10230]  }
0x135: {  	v9 =	vld [tilespmem:s22+$0x10240]  }
0x136: {  	v10 =	vld [tilespmem:s22+$0x10250]  }
0x137: {  	s23 =	sand.u32 $0x7, s0;
	v11 =	vld [tilespmem:s22+$0x10260]  }
0x138: {  	s2 =	sshll.u32 s23, $0xB;
	v12 =	vld [tilespmem:s22+$0x10600]  }
0x139: {  	s2 =	sadd.s32 $0x0, s2;
	v13 =	vld [tilespmem:s22+$0x10610]  }
0x13a: {  	v14 =	vld [tilespmem:s22+$0x10620];
	s29 =	sor.u32 $0x470, s2  }
0x13b: {  	s2 =	sor.u32 $0x70, s2;
	v3 =	vld [tilespmem:s29+$0x10200]  }
0x13c: {  	v4 =	vld [tilespmem:s2+$0x10200]  }
0x13d: {  	[tilespmem:s22+$0x4660] =	vst.add.f32.msk $0xffff, v2  }
0x13e: {  	v2 =	vld [tilespmem:s22+$0x10650]  }
0x13f: {  	[tilespmem:s22+$0x4200] =	vst.add.f32.msk $0xffff, v5  }
0x140: {  	[tilespmem:s22+$0x4210] =	vst.add.f32.msk $0xffff, v6  }
0x141: {  	[tilespmem:s22+$0x4220] =	vst.add.f32.msk $0xffff, v7  }
0x142: {  	[tilespmem:s22+$0x4230] =	vst.add.f32.msk $0xffff, v8  }
0x143: {  	[tilespmem:s22+$0x4240] =	vst.add.f32.msk $0xffff, v9  }
0x144: {  	[tilespmem:s22+$0x4250] =	vst.add.f32.msk $0xffff, v10  }
0x145: {  	[tilespmem:s22+$0x4260] =	vst.add.f32.msk $0xffff, v11  }
0x146: {  	[tilespmem:s29+$0x4200] =	vst.add.f32.msk $0xffff, v3  }
0x147: {  	[tilespmem:s2+$0x4200] =	vst.add.f32.msk $0xffff, v4  }
0x148: {  	v4 =	vld [tilespmem:s22+$0x10630]  }
0x149: {  	v3 =	vld [tilespmem:s22+$0x10640]  }
0x14a: {  	[tilespmem:s22+$0x4600] =	vst.add.f32.msk $0xffff, v12  }
0x14b: {  	[tilespmem:s22+$0x4610] =	vst.add.f32.msk $0xffff, v13  }
0x14c: {  	s24 =	simm.s32 $0x1;
	s23 =	simm.s32 $0x10;
	s4 =	simm.s32 $0x0;
	[tilespmem:s22+$0x4620] =	vst.add.f32.msk $0xffff, v14  }
.LBB2_5:
0x14d: {  	s2 =	sand.u32 $0x7, s24;
	p1 =	slt.u32 s23, $0x3F0;
	[tilespmem:s22+$0x4630] =	vst.add.f32.msk $0xffff, v4;
	s4 =	sadd.s32 $0x800, s4  }
0x14e: {  	s29 =	sand.u32 $0x380, s23;
	s2 =	sshll.u32 s2, $0xB;
	s3 =	sand.u32 $0x3800, s4;
	[tilespmem:s22+$0x4640] =	vst.add.f32.msk $0xffff, v3  }
0x14f: {  	s2 =	sadd.s32 s2, s23;
	[tilespmem:s22+$0x4650] =	vst.add.f32.msk $0xffff, v2;
	s22 =	sor.u32 s29, s3  }
0x150: {  	s3 =	sor.u32 $0x70, s2;
	v2 =	vld [tilespmem:s22+$0x10660];
	s2 =	sor.u32 $0x470, s2  }
0x151: {  	v3 =	vld [tilespmem:s2+$0x10200]  }
0x152: {  	v4 =	vld [tilespmem:s3+$0x10200]  }
0x153: {  	v5 =	vld [tilespmem:s22+$0x10200]  }
0x154: {  	v6 =	vld [tilespmem:s22+$0x10210]  }
0x155: {  	[tilespmem:s22+$0x4660] =	vst.add.f32.msk $0xffff, v2  }
0x156: {  	[tilespmem:s2+$0x4200] =	vst.add.f32.msk $0xffff, v3  }
0x157: {  	[tilespmem:s3+$0x4200] =	vst.add.f32.msk $0xffff, v4  }
0x158: {  	v7 =	vld [tilespmem:s22+$0x10220]  }
0x159: {  	v8 =	vld [tilespmem:s22+$0x10230]  }
0x15a: {  	v9 =	vld [tilespmem:s22+$0x10240]  }
0x15b: {  	v10 =	vld [tilespmem:s22+$0x10250]  }
0x15c: {  	v11 =	vld [tilespmem:s22+$0x10260]  }
0x15d: {  	v12 =	vld [tilespmem:s22+$0x10600]  }
0x15e: {  	v13 =	vld [tilespmem:s22+$0x10610]  }
0x15f: {  	v14 =	vld [tilespmem:s22+$0x10620]  }
0x160: {  	v4 =	vld [tilespmem:s22+$0x10630]  }
0x161: {  	v3 =	vld [tilespmem:s22+$0x10640]  }
0x162: {  	v2 =	vld [tilespmem:s22+$0x10650]  }
0x163: {  	[tilespmem:s22+$0x4200] =	vst.add.f32.msk $0xffff, v5  }
0x164: {  	[tilespmem:s22+$0x4210] =	vst.add.f32.msk $0xffff, v6  }
0x165: {  	[tilespmem:s22+$0x4220] =	vst.add.f32.msk $0xffff, v7  }
0x166: {  	[tilespmem:s22+$0x4230] =	vst.add.f32.msk $0xffff, v8  }
0x167: {  	[tilespmem:s22+$0x4240] =	vst.add.f32.msk $0xffff, v9  }
.Ltmp3:
0x168: {  	[tilespmem:s22+$0x4250] =	vst.add.f32.msk $0xffff, v10;
	(pc) =	sbr.rel @p1 .LBB2_5-.Ltmp3, $4  }
0x169: {  	[tilespmem:s22+$0x4260] =	vst.add.f32.msk $0xffff, v11  }
0x16a: {  	[tilespmem:s22+$0x4600] =	vst.add.f32.msk $0xffff, v12  }
0x16b: {  	[tilespmem:s22+$0x4610] =	vst.add.f32.msk $0xffff, v13  }
0x16c: {  	s24 =	sadd.s32 $0x1, s24;
	s23 =	sadd.s32 $0x10, s23;
	[tilespmem:s22+$0x4620] =	vst.add.f32.msk $0xffff, v14  }
0x16d: {  	s23 =	smul.u32 $0xC000, s30;
	[tilespmem:s22+$0x4630] =	vst.add.f32.msk $0xffff, v4  }
.Ltmp4:
0x16e: {  	s2 =	rddreg [dreg:$0x8];
	(pc) =	sbr.rel @p0 .LBB2_12-.Ltmp4, $4  }
0x16f: {  	s2 =	sadd.s32 s23, s2  }
0x170: {  	s3 =	rddreg [dreg:$0x3];
	[tilespmem:s22+$0x4640] =	vst.add.f32.msk $0xffff, v3;
	s2 =	sshrl.u32 s2, $0x3  }
0x171: {  	[tilespmem:s22+$0x4650] =	vst.add.f32.msk $0xffff, v2;
	s2 =	sadd.s32 s3, s2  }
0x172: {  	[hbm4b:s2+s5] =	stream.linear.scatter [tilespmem:s21], [sflag:$0x8], $0x4000, $0x38;
	[tilespmem:$0x18200] =	vst v63  }
0x173: {  	s2 =	simm.s32 $0x3  }
0x174: {  	_ =	swait.ge [sflag:s2], $0x4000  }
0x175: {  	[sflag:s2] =	ssyncset.done $0x0  }
0x176: {  	s3 =	simm.s32 $0x6;
	[sflag:s2] =	ssyncadd.s32 $0xFFFFC000  }
0x177: {  	_ =	swait.ge [sflag:s3], $0x4000  }
0x178: {  	[sflag:s3] =	ssyncset.done $0x0  }
0x179: {  	[sflag:s3] =	ssyncadd.s32 $0xFFFFC000  }
0x17a: {  	_ =	swait.ge [sflag:s7], $0x4000  }
0x17b: {  	s24 =	smul.u32 $0x18, s30;
	[sflag:s7] =	ssyncset.done $0x0  }
0x17c: {  	[sflag:s7] =	ssyncadd.s32 $0xFFFFC000  }
0x17d: {  	v2 =	vld.msk [tilespmem:s24+$0x20], $0xff;
	_ =	sdelay $0x4  }
0x17e: {  	v3 =	vshll.u32 v2, $0x4  }
0x17f: {  	v2 =	vand.u32 $0x7, v2;
	v3 =	vand.u32 $0xFFFFFF80, v3  }
0x180: {  	v2 =	vor.u32 v2, v3  }
0x181: {  	v2 =	vperm.xlane v2, v0;
	_ =	sdelay $0x1  }
0x182: {  	v2 =	vadd.s32 v1, v2;
	_ =	sdelay $0x3  }
0x183: {  	s22 =	simm.s32 $0x0;
	s4 =	rddreg [dreg:$0x1]  }
0x184: {  	[tilespmem:s21], [sflag:$0x2] =	stream.indirect_vreg.gather [hbm4b:s4+s22], $0x80, v2, vm0, $0xb8;
	[tilespmem:$0x18200] =	vst v63  }
0x185: {  	s21 =	simm.s32 $0x4A00  }
0x186: {  	[tilespmem:s21], [sflag:$0x2] =	stream.indirect_vreg.gather [hbm4b:s8+s22], $0x80, v2, vm0, $0xb8;
	[tilespmem:$0x18200] =	vst v63  }
0x187: {  	s25 =	simm.s32 $0x5200  }
0x188: {  	[tilespmem:s25], [sflag:$0x2] =	stream.indirect_vreg.gather [hbm4b:s9+s22], $0x80, v2, vm0, $0xb8;
	[tilespmem:$0x18200] =	vst v63  }
0x189: {  	s3 =	simm.s32 $0x5A00  }
0x18a: {  	[tilespmem:s3], [sflag:$0x2] =	stream.indirect_vreg.gather [hbm4b:s10+s22], $0x80, v2, vm0, $0xb8;
	[tilespmem:$0x18200] =	vst v63  }
0x18b: {  	s4 =	simm.s32 $0x6200  }
0x18c: {  	[tilespmem:s4], [sflag:$0x2] =	stream.indirect_vreg.gather [hbm4b:s11+s22], $0x80, v2, vm0, $0xb8;
	[tilespmem:$0x18200] =	vst v63  }
0x18d: {  	s21 =	simm.s32 $0x6A00  }
0x18e: {  	[tilespmem:s21], [sflag:$0x2] =	stream.indirect_vreg.gather [hbm4b:s12+s22], $0x80, v2, vm0, $0xb8;
	[tilespmem:$0x18200] =	vst v63  }
0x18f: {  	s25 =	simm.s32 $0x7200  }
0x190: {  	[tilespmem:s25], [sflag:$0x2] =	stream.indirect_vreg.gather [hbm4b:s13+s22], $0x80, v2, vm0, $0xb8;
	[tilespmem:$0x18200] =	vst v63  }
0x191: {  	s3 =	simm.s32 $0x7A00  }
0x192: {  	[tilespmem:s3], [sflag:$0x2] =	stream.indirect_vreg.gather [hbm4b:s14+s22], $0x80, v2, vm0, $0xb8;
	[tilespmem:$0x18200] =	vst v63  }
0x193: {  	v2 =	vld.msk [tilespmem:s24+$0x120], $0xff;
	_ =	sdelay $0x4  }
0x194: {  	v3 =	vshll.u32 v2, $0x4  }
0x195: {  	v2 =	vand.u32 $0x7, v2;
	v3 =	vand.u32 $0xFFFFFF80, v3  }
0x196: {  	v2 =	vor.u32 v2, v3  }
0x197: {  	v2 =	vperm.xlane v2, v0;
	_ =	sdelay $0x1  }
0x198: {  	v2 =	vadd.s32 v1, v2;
	_ =	sdelay $0x3  }
0x199: {  	s4 =	rddreg [dreg:$0x2];
	s3 =	simm.s32 $0x10200  }
0x19a: {  	[tilespmem:s3], [sflag:$0x5] =	stream.indirect_vreg.gather [hbm4b:s4+s22], $0x80, v2, vm0, $0xb8;
	[tilespmem:$0x18200] =	vst v63  }
0x19b: {  	s21 =	simm.s32 $0x10A00  }
0x19c: {  	[tilespmem:s21], [sflag:$0x5] =	stream.indirect_vreg.gather [hbm4b:s15+s22], $0x80, v2, vm0, $0xb8;
	[tilespmem:$0x18200] =	vst v63  }
0x19d: {  	s25 =	simm.s32 $0x11200  }
0x19e: {  	[tilespmem:s25], [sflag:$0x5] =	stream.indirect_vreg.gather [hbm4b:s16+s22], $0x80, v2, vm0, $0xb8;
	[tilespmem:$0x18200] =	vst v63  }
0x19f: {  	s3 =	simm.s32 $0x11A00  }
0x1a0: {  	[tilespmem:s3], [sflag:$0x5] =	stream.indirect_vreg.gather [hbm4b:s17+s22], $0x80, v2, vm0, $0xb8;
	[tilespmem:$0x18200] =	vst v63  }
0x1a1: {  	s4 =	simm.s32 $0x12200  }
0x1a2: {  	[tilespmem:s4], [sflag:$0x5] =	stream.indirect_vreg.gather [hbm4b:s18+s22], $0x80, v2, vm0, $0xb8;
	[tilespmem:$0x18200] =	vst v63  }
0x1a3: {  	s21 =	simm.s32 $0x12A00;
	s25 =	simm.s32 $0x13200;
	s4 =	sand.u32 $0x7, s22  }
0x1a4: {  	[tilespmem:s21], [sflag:$0x5] =	stream.indirect_vreg.gather [hbm4b:s19+s22], $0x80, v2, vm0, $0xb8;
	[tilespmem:$0x18200] =	vst v63  }
0x1a5: {  	s2 =	sshll.u32 s4, $0xB;
	s4 =	sand.u32 $0x3800, s22;
	s21 =	sand.u32 $0x380, s22  }
0x1a6: {  	[tilespmem:s25], [sflag:$0x5] =	stream.indirect_vreg.gather [hbm4b:s20+s22], $0x80, v2, vm0, $0xb8;
	[tilespmem:$0x18200] =	vst v63  }
0x1a7: {  	s3 =	simm.s32 $0x13A00;
	s2 =	sadd.s32 $0x0, s2;
	s29 =	sor.u32 s21, s4  }
0x1a8: {  	[tilespmem:s3], [sflag:$0x5] =	stream.indirect_vreg.gather [hbm4b:s26+s22], $0x80, v2, vm0, $0xb8;
	[tilespmem:$0x18200] =	vst v63  }
0x1a9: {  	s25 =	sor.u32 $0x470, s2;
	v2 =	vld [tilespmem:s29+$0x14660]  }
0x1aa: {  	s2 =	sor.u32 $0x70, s2;
	v3 =	vld [tilespmem:s25+$0x14200]  }
0x1ab: {  	v4 =	vld [tilespmem:s2+$0x14200]  }
0x1ac: {  	v5 =	vld [tilespmem:s29+$0x14200]  }
0x1ad: {  	v6 =	vld [tilespmem:s29+$0x14210]  }
0x1ae: {  	v7 =	vld [tilespmem:s29+$0x14220]  }
0x1af: {  	v8 =	vld [tilespmem:s29+$0x14230]  }
0x1b0: {  	v9 =	vld [tilespmem:s29+$0x14240]  }
0x1b1: {  	v10 =	vld [tilespmem:s29+$0x14250]  }
0x1b2: {  	v11 =	vld [tilespmem:s29+$0x14260]  }
0x1b3: {  	v12 =	vld [tilespmem:s29+$0x14600]  }
0x1b4: {  	v13 =	vld [tilespmem:s29+$0x14610]  }
0x1b5: {  	v14 =	vld [tilespmem:s29+$0x14620]  }
0x1b6: {  	[tilespmem:s29+$0x8660] =	vst.add.f32.msk $0xffff, v2  }
0x1b7: {  	[tilespmem:s25+$0x8200] =	vst.add.f32.msk $0xffff, v3  }
0x1b8: {  	[tilespmem:s2+$0x8200] =	vst.add.f32.msk $0xffff, v4  }
0x1b9: {  	v4 =	vld [tilespmem:s29+$0x14630]  }
0x1ba: {  	v3 =	vld [tilespmem:s29+$0x14640]  }
0x1bb: {  	v2 =	vld [tilespmem:s29+$0x14650]  }
0x1bc: {  	[tilespmem:s29+$0x8200] =	vst.add.f32.msk $0xffff, v5  }
0x1bd: {  	[tilespmem:s29+$0x8210] =	vst.add.f32.msk $0xffff, v6  }
0x1be: {  	[tilespmem:s29+$0x8220] =	vst.add.f32.msk $0xffff, v7  }
0x1bf: {  	[tilespmem:s29+$0x8230] =	vst.add.f32.msk $0xffff, v8  }
0x1c0: {  	[tilespmem:s29+$0x8240] =	vst.add.f32.msk $0xffff, v9  }
0x1c1: {  	[tilespmem:s29+$0x8250] =	vst.add.f32.msk $0xffff, v10  }
0x1c2: {  	[tilespmem:s29+$0x8260] =	vst.add.f32.msk $0xffff, v11  }
0x1c3: {  	[tilespmem:s29+$0x8600] =	vst.add.f32.msk $0xffff, v12  }
0x1c4: {  	[tilespmem:s29+$0x8610] =	vst.add.f32.msk $0xffff, v13  }
0x1c5: {  	s4 =	simm.s32 $0x10;
	[tilespmem:s29+$0x8620] =	vst.add.f32.msk $0xffff, v14;
	s2 =	simm.s32 $0x1  }
.LBB2_8:
0x1c6: {  	s3 =	sand.u32 $0x7, s2;
	p0 =	slt.u32 s4, $0x3F0;
	[tilespmem:s29+$0x8630] =	vst.add.f32.msk $0xffff, v4;
	s22 =	sadd.s32 $0x800, s22  }
0x1c7: {  	s21 =	sand.u32 $0x380, s4;
	s3 =	sshll.u32 s3, $0xB;
	s25 =	sand.u32 $0x3800, s22;
	[tilespmem:s29+$0x8640] =	vst.add.f32.msk $0xffff, v3  }
0x1c8: {  	s3 =	sadd.s32 s3, s4;
	[tilespmem:s29+$0x8650] =	vst.add.f32.msk $0xffff, v2;
	s29 =	sor.u32 s21, s25  }
0x1c9: {  	s21 =	sor.u32 $0x70, s3;
	v2 =	vld [tilespmem:s29+$0x14660];
	s3 =	sor.u32 $0x470, s3  }
0x1ca: {  	v3 =	vld [tilespmem:s3+$0x14200]  }
0x1cb: {  	v4 =	vld [tilespmem:s21+$0x14200]  }
0x1cc: {  	v5 =	vld [tilespmem:s29+$0x14200]  }
0x1cd: {  	v6 =	vld [tilespmem:s29+$0x14210]  }
0x1ce: {  	[tilespmem:s29+$0x8660] =	vst.add.f32.msk $0xffff, v2  }
0x1cf: {  	[tilespmem:s3+$0x8200] =	vst.add.f32.msk $0xffff, v3  }
0x1d0: {  	[tilespmem:s21+$0x8200] =	vst.add.f32.msk $0xffff, v4  }
0x1d1: {  	v7 =	vld [tilespmem:s29+$0x14220]  }
0x1d2: {  	v8 =	vld [tilespmem:s29+$0x14230]  }
0x1d3: {  	v9 =	vld [tilespmem:s29+$0x14240]  }
0x1d4: {  	v10 =	vld [tilespmem:s29+$0x14250]  }
0x1d5: {  	v11 =	vld [tilespmem:s29+$0x14260]  }
0x1d6: {  	v12 =	vld [tilespmem:s29+$0x14600]  }
0x1d7: {  	v13 =	vld [tilespmem:s29+$0x14610]  }
0x1d8: {  	v14 =	vld [tilespmem:s29+$0x14620]  }
0x1d9: {  	v4 =	vld [tilespmem:s29+$0x14630]  }
0x1da: {  	v3 =	vld [tilespmem:s29+$0x14640]  }
0x1db: {  	v2 =	vld [tilespmem:s29+$0x14650]  }
0x1dc: {  	[tilespmem:s29+$0x8200] =	vst.add.f32.msk $0xffff, v5  }
0x1dd: {  	[tilespmem:s29+$0x8210] =	vst.add.f32.msk $0xffff, v6  }
0x1de: {  	[tilespmem:s29+$0x8220] =	vst.add.f32.msk $0xffff, v7  }
0x1df: {  	[tilespmem:s29+$0x8230] =	vst.add.f32.msk $0xffff, v8  }
0x1e0: {  	[tilespmem:s29+$0x8240] =	vst.add.f32.msk $0xffff, v9  }
.Ltmp5:
0x1e1: {  	[tilespmem:s29+$0x8250] =	vst.add.f32.msk $0xffff, v10;
	(pc) =	sbr.rel @p0 .LBB2_8-.Ltmp5, $4  }
0x1e2: {  	[tilespmem:s29+$0x8260] =	vst.add.f32.msk $0xffff, v11  }
0x1e3: {  	[tilespmem:s29+$0x8600] =	vst.add.f32.msk $0xffff, v12  }
0x1e4: {  	[tilespmem:s29+$0x8610] =	vst.add.f32.msk $0xffff, v13  }
0x1e5: {  	s2 =	sadd.s32 $0x1, s2;
	s4 =	sadd.s32 $0x10, s4;
	[tilespmem:s29+$0x8620] =	vst.add.f32.msk $0xffff, v14  }
0x1e6: {  	[tilespmem:s29+$0x8630] =	vst.add.f32.msk $0xffff, v4  }
0x1e7: {  	s2 =	rddreg [dreg:$0x9]  }
0x1e8: {  	s2 =	sadd.s32 s23, s2  }
0x1e9: {  	s3 =	rddreg [dreg:$0x3];
	[tilespmem:s29+$0x8640] =	vst.add.f32.msk $0xffff, v3;
	s2 =	sshrl.u32 s2, $0x3  }
0x1ea: {  	s4 =	simm.s32 $0x8200;
	[tilespmem:s29+$0x8650] =	vst.add.f32.msk $0xffff, v2;
	s2 =	sadd.s32 s3, s2  }
0x1eb: {  	[hbm4b:s2+s5] =	stream.linear.scatter [tilespmem:s4], [sflag:$0x9], $0x4000, $0x38;
	[tilespmem:$0x18200] =	vst v63  }
0x1ec: {  	_ =	swait.ge [sflag:s28], $0x4000  }
0x1ed: {  	[sflag:s28] =	ssyncset.done $0x0  }
0x1ee: {  	[sflag:s28] =	ssyncadd.s32 $0xFFFFC000  }
0x1ef: {  	_ =	swait.ge [sflag:s31], $0x4000  }
0x1f0: {  	p0 =	sgt.u32 s30, $0x8;
	[sflag:s31] =	ssyncset.done $0x0  }
0x1f1: {  	s2 =	simm.s32 @!p0 $0x9;
	[sflag:s31] =	ssyncadd.s32 $0xFFFFC000  }
0x1f2: {  	_ =	swait.ge @!p0 [sflag:s2], $0x4000  }
0x1f3: {  	[sflag:s2] =	ssyncset.done @!p0 $0x0  }
0x1f4: {  	[sflag:s2] =	ssyncadd.s32 @!p0 $0xFFFFC000  }
0x1f5: {  	v2 =	vld.msk @!p0 [tilespmem:s24+$0x28], $0xff;
	_ =	sdelay $0x4  }
0x1f6: {  	v3 =	vshll.u32 @!p0 v2, $0x4  }
0x1f7: {  	v4 =	vlaneseq.u32 @!p0;
	v2 =	vand.u32 @!p0 $0x7, v2;
	v3 =	vand.u32 @!p0 $0xFFFFFF80, v3  }
0x1f8: {  	v2 =	vor.u32 @!p0 v2, v3;
	v3 =	vand.u32 @!p0 $0x7, v4;
	v4 =	vshrl.u32 @!p0 v4, $0x3  }
0x1f9: {  	v2 =	vperm.xlane @!p0 v2, v3;
	v4 =	vmul.u32 @!p0 $0x8, v4;
	_ =	sdelay $0x1  }
0x1fa: {  	v2 =	vadd.s32 @!p0 v4, v2;
	_ =	sdelay $0x3  }
0x1fb: {  	vm1 =	vmmov @!p0 $0xffff;
	s3 =	simm.s32 @!p0 $0x8200;
	s2 =	simm.s32 @!p0 $0x0;
	s4 =	rddreg [dreg:$0x1]  }
0x1fc: {  	[tilespmem:s3], [sflag:$0x3] =	stream.indirect_vreg.gather @!p0 [hbm4b:s4+s2], $0x80, v2, vm1, $0xb8;
	[tilespmem:$0x18200] =	vst v63  }
0x1fd: {  	s3 =	simm.s32 @!p0 $0x8A00  }
0x1fe: {  	[tilespmem:s3], [sflag:$0x3] =	stream.indirect_vreg.gather @!p0 [hbm4b:s8+s2], $0x80, v2, vm1, $0xb8;
	[tilespmem:$0x18200] =	vst v63  }
0x1ff: {  	s3 =	simm.s32 @!p0 $0x9200  }
0x200: {  	[tilespmem:s3], [sflag:$0x3] =	stream.indirect_vreg.gather @!p0 [hbm4b:s9+s2], $0x80, v2, vm1, $0xb8;
	[tilespmem:$0x18200] =	vst v63  }
0x201: {  	s3 =	simm.s32 @!p0 $0x9A00  }
0x202: {  	[tilespmem:s3], [sflag:$0x3] =	stream.indirect_vreg.gather @!p0 [hbm4b:s10+s2], $0x80, v2, vm1, $0xb8;
	[tilespmem:$0x18200] =	vst v63  }
0x203: {  	s3 =	simm.s32 @!p0 $0xA200  }
0x204: {  	[tilespmem:s3], [sflag:$0x3] =	stream.indirect_vreg.gather @!p0 [hbm4b:s11+s2], $0x80, v2, vm1, $0xb8;
	[tilespmem:$0x18200] =	vst v63  }
0x205: {  	s3 =	simm.s32 @!p0 $0xAA00  }
0x206: {  	[tilespmem:s3], [sflag:$0x3] =	stream.indirect_vreg.gather @!p0 [hbm4b:s12+s2], $0x80, v2, vm1, $0xb8;
	[tilespmem:$0x18200] =	vst v63  }
0x207: {  	s3 =	simm.s32 @!p0 $0xB200  }
0x208: {  	[tilespmem:s3], [sflag:$0x3] =	stream.indirect_vreg.gather @!p0 [hbm4b:s13+s2], $0x80, v2, vm1, $0xb8;
	[tilespmem:$0x18200] =	vst v63  }
0x209: {  	s3 =	simm.s32 @!p0 $0xBA00  }
0x20a: {  	[tilespmem:s3], [sflag:$0x3] =	stream.indirect_vreg.gather @!p0 [hbm4b:s14+s2], $0x80, v2, vm1, $0xb8;
	[tilespmem:$0x18200] =	vst v63  }
0x20b: {  	v2 =	vld.msk @!p0 [tilespmem:s24+$0x128], $0xff;
	_ =	sdelay $0x4  }
0x20c: {  	v5 =	vshll.u32 @!p0 v2, $0x4  }
0x20d: {  	v2 =	vand.u32 @!p0 $0x7, v2;
	v5 =	vand.u32 @!p0 $0xFFFFFF80, v5  }
0x20e: {  	v2 =	vor.u32 @!p0 v2, v5  }
0x20f: {  	v2 =	vperm.xlane @!p0 v2, v3;
	_ =	sdelay $0x1  }
0x210: {  	v2 =	vadd.s32 @!p0 v4, v2;
	_ =	sdelay $0x3  }
0x211: {  	s4 =	rddreg [dreg:$0x2];
	s3 =	simm.s32 @!p0 $0x14200  }
0x212: {  	[tilespmem:s3], [sflag:$0x6] =	stream.indirect_vreg.gather @!p0 [hbm4b:s4+s2], $0x80, v2, vm1, $0xb8;
	[tilespmem:$0x18200] =	vst v63  }
0x213: {  	s3 =	simm.s32 @!p0 $0x14A00  }
0x214: {  	[tilespmem:s3], [sflag:$0x6] =	stream.indirect_vreg.gather @!p0 [hbm4b:s15+s2], $0x80, v2, vm1, $0xb8;
	[tilespmem:$0x18200] =	vst v63  }
0x215: {  	s3 =	simm.s32 @!p0 $0x15200  }
0x216: {  	[tilespmem:s3], [sflag:$0x6] =	stream.indirect_vreg.gather @!p0 [hbm4b:s16+s2], $0x80, v2, vm1, $0xb8;
	[tilespmem:$0x18200] =	vst v63  }
0x217: {  	s3 =	simm.s32 @!p0 $0x15A00  }
0x218: {  	[tilespmem:s3], [sflag:$0x6] =	stream.indirect_vreg.gather @!p0 [hbm4b:s17+s2], $0x80, v2, vm1, $0xb8;
	[tilespmem:$0x18200] =	vst v63  }
0x219: {  	s3 =	simm.s32 @!p0 $0x16200  }
0x21a: {  	[tilespmem:s3], [sflag:$0x6] =	stream.indirect_vreg.gather @!p0 [hbm4b:s18+s2], $0x80, v2, vm1, $0xb8;
	[tilespmem:$0x18200] =	vst v63  }
0x21b: {  	s22 =	simm.s32 $0x0;
	s3 =	simm.s32 @!p0 $0x16A00  }
0x21c: {  	[tilespmem:s3], [sflag:$0x6] =	stream.indirect_vreg.gather @!p0 [hbm4b:s19+s2], $0x80, v2, vm1, $0xb8;
	[tilespmem:$0x18200] =	vst v63  }
0x21d: {  	s25 =	sand.u32 $0x3800, s22;
	s24 =	sand.u32 $0x380, s22;
	s3 =	simm.s32 @!p0 $0x17200  }
0x21e: {  	[tilespmem:s3], [sflag:$0x6] =	stream.indirect_vreg.gather @!p0 [hbm4b:s20+s2], $0x80, v2, vm1, $0xb8;
	[tilespmem:$0x18200] =	vst v63  }
0x21f: {  	s24 =	sor.u32 s24, s25;
	s3 =	simm.s32 @!p0 $0x17A00  }
0x220: {  	[tilespmem:s3], [sflag:$0x6] =	stream.indirect_vreg.gather @!p0 [hbm4b:s26+s2], $0x80, v2, vm1, $0xb8;
	[tilespmem:$0x18200] =	vst v63  }
0x221: {  	v2 =	vld [tilespmem:s24+$0xC660]  }
0x222: {  	v5 =	vld [tilespmem:s24+$0xC200]  }
0x223: {  	v6 =	vld [tilespmem:s24+$0xC210]  }
0x224: {  	v7 =	vld [tilespmem:s24+$0xC220]  }
0x225: {  	v8 =	vld [tilespmem:s24+$0xC230]  }
0x226: {  	v9 =	vld [tilespmem:s24+$0xC240]  }
0x227: {  	v10 =	vld [tilespmem:s24+$0xC250]  }
0x228: {  	s21 =	sand.u32 $0x7, s22;
	v11 =	vld [tilespmem:s24+$0xC260]  }
0x229: {  	s2 =	sshll.u32 s21, $0xB;
	v12 =	vld [tilespmem:s24+$0xC600]  }
0x22a: {  	s2 =	sadd.s32 $0x0, s2;
	v13 =	vld [tilespmem:s24+$0xC610]  }
0x22b: {  	v14 =	vld [tilespmem:s24+$0xC620];
	s29 =	sor.u32 $0x470, s2  }
0x22c: {  	s2 =	sor.u32 $0x70, s2;
	v3 =	vld [tilespmem:s29+$0xC200]  }
0x22d: {  	v4 =	vld [tilespmem:s2+$0xC200]  }
0x22e: {  	[tilespmem:s24+$0x660] =	vst.add.f32.msk $0xffff, v2  }
0x22f: {  	v2 =	vld [tilespmem:s24+$0xC650]  }
0x230: {  	[tilespmem:s24+$0x200] =	vst.add.f32.msk $0xffff, v5  }
0x231: {  	[tilespmem:s24+$0x210] =	vst.add.f32.msk $0xffff, v6  }
0x232: {  	[tilespmem:s24+$0x220] =	vst.add.f32.msk $0xffff, v7  }
0x233: {  	[tilespmem:s24+$0x230] =	vst.add.f32.msk $0xffff, v8  }
0x234: {  	[tilespmem:s24+$0x240] =	vst.add.f32.msk $0xffff, v9  }
0x235: {  	[tilespmem:s24+$0x250] =	vst.add.f32.msk $0xffff, v10  }
0x236: {  	[tilespmem:s24+$0x260] =	vst.add.f32.msk $0xffff, v11  }
0x237: {  	[tilespmem:s29+$0x200] =	vst.add.f32.msk $0xffff, v3  }
0x238: {  	[tilespmem:s2+$0x200] =	vst.add.f32.msk $0xffff, v4  }
0x239: {  	v4 =	vld [tilespmem:s24+$0xC630]  }
0x23a: {  	v3 =	vld [tilespmem:s24+$0xC640]  }
0x23b: {  	[tilespmem:s24+$0x600] =	vst.add.f32.msk $0xffff, v12  }
0x23c: {  	[tilespmem:s24+$0x610] =	vst.add.f32.msk $0xffff, v13  }
0x23d: {  	s4 =	simm.s32 $0x10;
	[tilespmem:s24+$0x620] =	vst.add.f32.msk $0xffff, v14;
	s2 =	simm.s32 $0x1  }
.LBB2_10:
0x23e: {  	s3 =	sand.u32 $0x7, s2;
	p0 =	slt.u32 s4, $0x3F0;
	[tilespmem:s24+$0x630] =	vst.add.f32.msk $0xffff, v4;
	s22 =	sadd.s32 $0x800, s22  }
0x23f: {  	s21 =	sand.u32 $0x380, s4;
	s3 =	sshll.u32 s3, $0xB;
	s25 =	sand.u32 $0x3800, s22;
	[tilespmem:s24+$0x640] =	vst.add.f32.msk $0xffff, v3  }
0x240: {  	s3 =	sadd.s32 s3, s4;
	[tilespmem:s24+$0x650] =	vst.add.f32.msk $0xffff, v2;
	s24 =	sor.u32 s21, s25  }
0x241: {  	s21 =	sor.u32 $0x70, s3;
	v2 =	vld [tilespmem:s24+$0xC660];
	s3 =	sor.u32 $0x470, s3  }
0x242: {  	v3 =	vld [tilespmem:s3+$0xC200]  }
0x243: {  	v4 =	vld [tilespmem:s21+$0xC200]  }
0x244: {  	v5 =	vld [tilespmem:s24+$0xC200]  }
0x245: {  	v6 =	vld [tilespmem:s24+$0xC210]  }
0x246: {  	[tilespmem:s24+$0x660] =	vst.add.f32.msk $0xffff, v2  }
0x247: {  	[tilespmem:s3+$0x200] =	vst.add.f32.msk $0xffff, v3  }
0x248: {  	[tilespmem:s21+$0x200] =	vst.add.f32.msk $0xffff, v4  }
0x249: {  	v7 =	vld [tilespmem:s24+$0xC220]  }
0x24a: {  	v8 =	vld [tilespmem:s24+$0xC230]  }
0x24b: {  	v9 =	vld [tilespmem:s24+$0xC240]  }
0x24c: {  	v10 =	vld [tilespmem:s24+$0xC250]  }
0x24d: {  	v11 =	vld [tilespmem:s24+$0xC260]  }
0x24e: {  	v12 =	vld [tilespmem:s24+$0xC600]  }
0x24f: {  	v13 =	vld [tilespmem:s24+$0xC610]  }
0x250: {  	v14 =	vld [tilespmem:s24+$0xC620]  }
0x251: {  	v4 =	vld [tilespmem:s24+$0xC630]  }
0x252: {  	v3 =	vld [tilespmem:s24+$0xC640]  }
0x253: {  	v2 =	vld [tilespmem:s24+$0xC650]  }
0x254: {  	[tilespmem:s24+$0x200] =	vst.add.f32.msk $0xffff, v5  }
0x255: {  	[tilespmem:s24+$0x210] =	vst.add.f32.msk $0xffff, v6  }
0x256: {  	[tilespmem:s24+$0x220] =	vst.add.f32.msk $0xffff, v7  }
0x257: {  	[tilespmem:s24+$0x230] =	vst.add.f32.msk $0xffff, v8  }
0x258: {  	[tilespmem:s24+$0x240] =	vst.add.f32.msk $0xffff, v9  }
.Ltmp6:
0x259: {  	[tilespmem:s24+$0x250] =	vst.add.f32.msk $0xffff, v10;
	(pc) =	sbr.rel @p0 .LBB2_10-.Ltmp6, $4  }
0x25a: {  	[tilespmem:s24+$0x260] =	vst.add.f32.msk $0xffff, v11  }
0x25b: {  	[tilespmem:s24+$0x600] =	vst.add.f32.msk $0xffff, v12  }
0x25c: {  	[tilespmem:s24+$0x610] =	vst.add.f32.msk $0xffff, v13  }
0x25d: {  	s2 =	sadd.s32 $0x1, s2;
	s4 =	sadd.s32 $0x10, s4;
	[tilespmem:s24+$0x620] =	vst.add.f32.msk $0xffff, v14  }
0x25e: {  	s30 =	sadd.s32 $0x1, s30  }
0x25f: {  	[tilespmem:s24+$0x630] =	vst.add.f32.msk $0xffff, v4;
	p0 =	sne.s32 s30, $0xB  }
.Ltmp7:
0x260: {  	s2 =	rddreg [dreg:$0xa];
	(pc) =	sbr.rel @p0 .LBB2_4-.Ltmp7, $4  }
.Ltmp8:
0x261: {  	s2 =	sadd.s32 s23, s2;
	(pc) =	sbr.rel @!p0 .LBB2_12-.Ltmp8, $4  }
0x262: {  	s3 =	rddreg [dreg:$0x3];
	[tilespmem:s24+$0x640] =	vst.add.f32.msk $0xffff, v3;
	s2 =	sshrl.u32 s2, $0x3  }
0x263: {  	s29 =	simm.s32 $0x200;
	s21 =	simm.s32 $0x4200;
	[tilespmem:s24+$0x650] =	vst.add.f32.msk $0xffff, v2;
	s2 =	sadd.s32 s3, s2  }
0x264: {  	[hbm4b:s2+s5] =	stream.linear.scatter [tilespmem:s29], [sflag:$0x7], $0x4000, $0x38;
	[tilespmem:$0x18200] =	vst v63  }
0x265: {  	_ = 	snop  }
.LBB2_13:
0x266: {  	_ =	sfence.sel $0x180000  }
0x267: {  	[bflag:$0x0] =	sbarrier.arrive $0xFFFF  }
0x268: {  	_ =	strace $0x90000047  }
0x269: {  	s0 =	stileid.u32;
	[bflag:$0x2] =	sbarrier.arrive $0xFFFF  }
0x26a: {  	p0 =	sne.s32 s0, $0x0;
	s0 =	rddreg [dreg:$0x4]  }
0x26b: {  	s0 =	sadd.s32 @!p0 $0x100000, s0  }
0x26c: {  	[sflag:s0] =	ssyncadd.tile.s32 @!p0 $0x1;
	_ =	shalt  }
.Lfunc_end2:
_tile_overlayer_lowered:
.L_overlay_start_2:
0x26d: {  	(tag) =	ssettag $0x2  }
0x26e: {  	s0 =	rddreg [dreg:$0x0];
	s2 =	stileid.u32  }
0x26f: {  	s1 =	rddreg [dreg:$0x1];
	p0 =	sne.s32 s2, $0x0  }
0x270: {  	s3 =	rddreg [dreg:$0x2];
	[bflag:$0x3] =	sbarrier.arrive $0xFFFF;
	s2 =	simm.s32 @!p0 $0x1C0A  }
0x271: {  	[timem:s3], [sflag:s2] =	dma.local @!p0 [hbm:s0], s1  }
0x272: {  	s0 =	simm.s32 @!p0 $0xA  }
0x273: {  	_ =	swait.ge @!p0 [sflag:s0], s1  }
0x274: {  	s1 =	ssub.s32 @!p0 $0x0, s1;
	[sflag:s0] =	ssyncset.done @!p0 $0x0  }
0x275: {  	[sflag:s0] =	ssyncadd.s32 @!p0 s1  }
0x276: {  	[bflag:$0x3] =	sbarrier.arrive $0xFFFF  }
0x277: {  	_ =	shalt  }

</sc_bundles>
